<compile_context>
chip_gen: v7x
topology: tpu7x:2x2x1
jax: 0.10.2.dev20260603
libtpu: 0.0.44.dev20260713+nightly
codegen_flags: <defaults>
</compile_context>

<pallas_src>
import functools

import jax
import jax.numpy as jnp
from jax import lax
from jax.experimental import pallas as pl
from jax.experimental.pallas import tpu as pltpu
from jax.experimental.pallas import tpu_sc as plsc

_N = 10000
_E = 320000
_L = 128

_NC = 2
_NS = 16
_NW = _NC * _NS
_EPW = _E // _NW

_GCH = 80
_NCH = _EPW // _GCH

_SIDX = 100
_SCH = 400
_NCHS = _EPW // _SCH
_ACC = 10240
_RPT = _ACC // _NS

_BE = 800
_BN = 1000



def _gather_body(lat, snd2d, rcv2d, wflat, lats, latr, rho,
                 idx_s2, idx_r2, rows_s, rows_r, wtab, rho_v,
                 sem_s, sem_r):
    cid = lax.axis_index("c")
    sid = lax.axis_index("s")
    wid = sid * _NC + cid
    base = wid * _EPW
    brow = wid * _NCH
    pltpu.sync_copy(wflat, wtab)

    def chunk(j, carry):
        off = base + j * _GCH
        pltpu.sync_copy(snd2d.at[pl.ds(brow + j, 1)], idx_s2)
        pltpu.sync_copy(rcv2d.at[pl.ds(brow + j, 1)], idx_r2)
        cs = pltpu.async_copy(lat.at[idx_s2.at[0]], rows_s, sem_s)
        cr = pltpu.async_copy(lat.at[idx_r2.at[0]], rows_r, sem_r)

        def wbody(i, c2):
            sl = pl.ds(i * 16, 16)
            ws = plsc.load_gather(wtab, [idx_s2[0, sl]])
            wr = plsc.load_gather(wtab, [idx_r2[0, sl]])
            rho_v[sl] = ws / (ws + wr)
            return c2

        lax.fori_loop(0, _GCH // 16, wbody, 0)
        pltpu.sync_copy(rho_v, rho.at[pl.ds(off, _GCH)])
        cs.wait()
        cr.wait()
        pltpu.sync_copy(rows_s, lats.at[pl.ds(off, _GCH)])
        pltpu.sync_copy(rows_r, latr.at[pl.ds(off, _GCH)])
        return carry

    lax.fori_loop(0, _NCH, chunk, 0)


def _sc_gather(node_latent, node_w_flat, senders, receivers):
    mesh = plsc.VectorSubcoreMesh(core_axis_name="c", subcore_axis_name="s")
    f32 = jnp.float32
    snd2d = senders.reshape(_E // _GCH, _GCH)
    rcv2d = receivers.reshape(_E // _GCH, _GCH)
    k = pl.kernel(
        _gather_body,
        out_type=(
            jax.ShapeDtypeStruct((_E, _L), f32),
            jax.ShapeDtypeStruct((_E, _L), f32),
            jax.ShapeDtypeStruct((_E,), f32),
        ),
        mesh=mesh,
        compiler_params=pltpu.CompilerParams(needs_layout_passes=False,
                                             use_tc_tiling_on_sc=False),
        scratch_types=[
            pltpu.VMEM((1, _GCH), jnp.int32),
            pltpu.VMEM((1, _GCH), jnp.int32),
            pltpu.VMEM((_GCH, _L), f32),
            pltpu.VMEM((_GCH, _L), f32),
            pltpu.VMEM((_N,), f32),
            pltpu.VMEM((_GCH,), f32),
            pltpu.SemaphoreType.DMA,
            pltpu.SemaphoreType.DMA,
        ],
    )
    return k(node_latent, snd2d, rcv2d, node_w_flat)



def _scatter_body(scat, rcv2d, zrows, outp, rows_v, idx_v, acc, stage):
    cid = lax.axis_index("c")
    sid = lax.axis_index("s")
    wid = sid * _NC + cid
    pltpu.sync_copy(zrows.at[pl.ds(sid * _RPT, _RPT)],
                    acc.at[pl.ds(sid * _RPT, _RPT)])
    plsc.subcore_barrier()
    irows = _SCH // _SIDX
    base_row = wid * (_EPW // _SIDX)

    def chunk(j, carry):
        off = wid * _EPW + j * _SCH
        pltpu.sync_copy(scat.at[pl.ds(off, _SCH)], rows_v)
        pltpu.sync_copy(rcv2d.at[pl.ds(base_row + j * irows, irows)], idx_v)
        for k in range(irows):
            pltpu.sync_copy(rows_v.at[pl.ds(k * _SIDX, _SIDX)],
                            acc.at[idx_v.at[k]], add=True)
        return carry

    lax.fori_loop(0, _NCHS, chunk, 0)
    plsc.subcore_barrier()
    pltpu.sync_copy(acc.at[pl.ds(sid * _RPT, _RPT)], stage)
    pltpu.sync_copy(stage, outp.at[pl.ds(cid * _ACC + sid * _RPT, _RPT)])


def _sc_scatter(scat_rows, rcv2d, zrows):
    mesh = plsc.VectorSubcoreMesh(core_axis_name="c", subcore_axis_name="s")
    f32 = jnp.float32
    k = pl.kernel(
        _scatter_body,
        out_type=jax.ShapeDtypeStruct((_NC * _ACC, 16), f32),
        mesh=mesh,
        compiler_params=pltpu.CompilerParams(use_tc_tiling_on_sc=False),
        scratch_types=[
            pltpu.VMEM((_SCH, 16), f32),
            pltpu.VMEM((_SCH // _SIDX, _SIDX), jnp.int32),
            pltpu.VMEM_SHARED((_ACC, 16), f32),
            pltpu.VMEM((_RPT, 16), f32),
        ],
    )
    return k(scat_rows, rcv2d, zrows).reshape(_NC, _ACC, 16)



def _ln(x, g, b):
    mu = jnp.mean(x, axis=-1, keepdims=True)
    xc = x - mu
    var = jnp.mean(xc * xc, axis=-1, keepdims=True)
    return xc * lax.rsqrt(var + 1e-5) * g + b


def _mm(x, w):
    return jnp.dot(x, w, preferred_element_type=jnp.float32)


def _mmh(x, w):
    return jnp.dot(x, w, preferred_element_type=jnp.float32,
                   precision=lax.Precision.HIGHEST)



def _pack_body(va, vb, vc, sv, sw, rv, rw, sp, rp, dxr, attr, XL_o, XR_o):
    a = va[...]
    b = vb[...]
    c = vc[...]
    abc9 = jnp.concatenate([a, b, c], axis=1)

    def p1(v):
        return jnp.concatenate([v[:, 1:3], v[:, 0:1]], axis=1)

    def p2(v):
        return jnp.concatenate([v[:, 2:3], v[:, 0:2]], axis=1)

    def t15(v):
        return jnp.concatenate([v, v, v, p1(v), p2(v)], axis=1)

    sp_ = sp[...]
    rp_ = rp[...]
    XL_o[...] = jnp.concatenate(
        [abc9, abc9, abc9, abc9, t15(a), t15(b), t15(c),
         p1(sp_), p1(rp_), p2(sp_), p2(rp_), dxr[...], attr[...],
         jnp.zeros((_BE, 31), jnp.float32)], axis=1)
    XR_o[...] = jnp.concatenate(
        [jnp.concatenate([v[...], v[...], v[...]], axis=1)
         for v in (sv, sw, rv, rw)]
        + [jnp.zeros((_BE, 92), jnp.float32)], axis=1)


def _tc_pack(narrow_ins):
    f32 = jnp.float32
    grid = (_E // _BE,)

    def eb(w):
        return pl.BlockSpec((_BE, w), lambda i: (i, 0))

    in_specs = [eb(3)] * 9 + [eb(3), eb(1)]
    in_specs = [eb(3)] * 10 + [eb(1)]
    out_specs = [eb(128), eb(128)]
    out_shape = [jax.ShapeDtypeStruct((_E, 128), f32)] * 2
    return pl.pallas_call(
        _pack_body,
        grid=grid,
        in_specs=in_specs,
        out_specs=out_specs,
        out_shape=out_shape,
        compiler_params=pltpu.CompilerParams(
            dimension_semantics=("arbitrary",)),
    )(*narrow_ins)


def _edge_body(XLr, XRr, lats, latr, rhob, *wrefs):
    (Knn, b1nn, enW2, enb2, enW3, enb3, eng, enbe,
     eeW1, eeb1, eeW2, eeb2, eeW3, eeb3, eeg, eebe,
     eiW1, eib1, eiW2, eib2, eiW3, eib3, eig, eibe,
     blkg, blkb,
     dcW1, dcb1, d1W2, d1b2, d2W2, d2b2, dfW2, dfb2, dxW2, dxb2,
     W3big, b3big) = (r[...] for r in wrefs[:-3])
    inter_o, dxij_o, scat_o = wrefs[-3:]

    xl = XLr[...]
    P = xl[:, 0:36] * XRr[...][:, 0:36]
    H = jnp.maximum(_mm(P, Knn) + b1nn, 0.0)
    h = jnp.concatenate([H[:, 0:128], H[:, 128:256]], axis=0)
    h = jnp.maximum(_mm(h, enW2) + enb2, 0.0)
    h = _ln(_mm(h, enW3) + enb3, eng, enbe)
    sr = h[:_BE] + h[_BE:]

    d = xl[:, 93:96]
    ef = jnp.concatenate(
        [jnp.sqrt(jnp.sum(d * d, axis=1, keepdims=True)), xl[:, 96:97]],
        axis=1)
    he = jnp.maximum(_mm(ef, eeW1) + eeb1, 0.0)
    he = jnp.maximum(_mm(he, eeW2) + eeb2, 0.0)
    el = _ln(_mm(he, eeW3) + eeb3, eeg, eebe)

    xin = jnp.concatenate([sr, lats[...] + latr[...], el], axis=1)
    hi = jnp.maximum(_mm(xin, eiW1) + eib1, 0.0)
    hi = jnp.maximum(_mm(hi, eiW2) + eib2, 0.0)
    itr = _ln(_mm(hi, eiW3) + eib3, eig, eibe)
    itr = _ln(itr, blkg, blkb)
    inter_o[...] = itr

    h1 = jnp.maximum(_mmh(itr, dcW1) + dcb1, 0.0)
    h2 = jnp.concatenate([
        jnp.maximum(_mmh(h1[:, 0:128], d1W2) + d1b2, 0.0),
        jnp.maximum(_mmh(h1[:, 128:256], d2W2) + d2b2, 0.0),
        jnp.maximum(_mmh(h1[:, 256:384], dfW2) + dfb2, 0.0),
        jnp.maximum(_mmh(h1[:, 384:512], dxW2) + dxb2, 0.0)], axis=1)
    CF = _mmh(h2, W3big) + b3big
    o15 = (CF[:, 0:15] * xl[:, 36:51] + CF[:, 15:30] * xl[:, 51:66]
           + CF[:, 30:45] * xl[:, 66:81])
    fij = o15[:, 0:3]
    aij = o15[:, 3:6]
    dxij_o[...] = o15[:, 6:9]
    lam = CF[:, 45:46]
    rho = rhob[...]
    l1 = rho * (xl[:, 84:87] - xl[:, 81:84])
    l2 = rho * (xl[:, 90:93] - xl[:, 87:90])
    tq = lam * (l1 * o15[:, 12:15] - l2 * o15[:, 9:12])
    tau = aij - tq
    scat_o[...] = jnp.concatenate(
        [fij, tau, jnp.zeros((_BE, 10), jnp.float32)], axis=1)


def _tc_edges(edge_ins, weights):
    f32 = jnp.float32
    grid = (_E // _BE,)

    def eb(w):
        return pl.BlockSpec((_BE, w), lambda i: (i, 0))

    def cb(shape):
        return pl.BlockSpec(shape, lambda i, _n=len(shape): (0,) * _n)

    in_specs = ([eb(128)] * 2 + [eb(_L)] * 2 + [eb(1)]
                + [cb(w.shape) for w in weights])
    out_specs = [eb(_L), eb(3), eb(16)]
    out_shape = [jax.ShapeDtypeStruct((_E, _L), f32),
                 jax.ShapeDtypeStruct((_E, 3), f32),
                 jax.ShapeDtypeStruct((_E, 16), f32)]
    return pl.pallas_call(
        _edge_body,
        grid=grid,
        in_specs=in_specs,
        out_specs=out_specs,
        out_shape=out_shape,
        compiler_params=pltpu.CompilerParams(
            dimension_semantics=("arbitrary",)),
    )(*edge_ins, *weights)



def _node_body(lat, part, *wrefs):
    (nmW1, nmb1, imW2, imb2, iiW2, iib2, edW2, edb2,
     nmW3, nmb3) = (r[...] for r in wrefs[:-2])
    dv_o, dw_o = wrefs[-2:]
    x = lat[...]
    h1 = jnp.maximum(_mm(x, nmW1) + nmb1, 0.0)
    h2 = jnp.concatenate([
        jnp.maximum(_mm(h1[:, 0:128], imW2) + imb2, 0.0),
        jnp.maximum(_mm(h1[:, 128:256], iiW2) + iib2, 0.0),
        jnp.maximum(_mm(h1[:, 256:384], edW2) + edb2, 0.0)], axis=1)
    o = _mm(h2, nmW3) + nmb3
    p = part[...]
    net = p[0] + p[1]
    dv_o[...] = o[:, 0:1] * net[:, 0:3] + o[:, 2:5]
    dw_o[...] = o[:, 1:2] * net[:, 3:6]


def _tc_nodes(node_latent, partials, weights):
    f32 = jnp.float32
    grid = (_N // _BN,)

    def cb(shape):
        return pl.BlockSpec(shape, lambda i, _n=len(shape): (0,) * _n)

    in_specs = ([pl.BlockSpec((_BN, _L), lambda i: (i, 0)),
                 pl.BlockSpec((_NC, _BN, 16), lambda i: (0, i, 0))]
                + [cb(w.shape) for w in weights])
    out_specs = [pl.BlockSpec((_BN, 3), lambda i: (i, 0))] * 2
    out_shape = [jax.ShapeDtypeStruct((_N, 3), f32)] * 2
    return pl.pallas_call(
        _node_body,
        grid=grid,
        in_specs=in_specs,
        out_specs=out_specs,
        out_shape=out_shape,
        compiler_params=pltpu.CompilerParams(
            dimension_semantics=("arbitrary",)),
    )(node_latent, partials, *weights)



def _mlp_flat(p):
    L = p["layers"]
    out = []
    for lyr in L:
        out.append(lyr["W"])
        out.append(lyr["b"].reshape(1, -1))
    if "ln_g" in p:
        out.append(p["ln_g"].reshape(1, -1))
        out.append(p["ln_b"].reshape(1, -1))
    return out


def kernel(edge_index, senders_pos, receivers_pos, edge_dx_, edge_attr,
           vector_a, vector_b, vector_c, senders_v_t_, senders_w_t_,
           receivers_v_t_, receivers_w_t_, node_latent, node_type,
           node_weights, node_vel, params):
    f32 = jnp.float32
    senders = edge_index[0]
    receivers = edge_index[1]
    w_flat = node_weights.reshape(_N)

    lats, latr, rho = _sc_gather(node_latent, w_flat, senders, receivers)

    p1 = jnp.array([1, 2, 0])
    p2 = jnp.array([2, 0, 1])
    en = params["enc_node"]["layers"]
    rep = jnp.repeat(en[0]["W"], 3, axis=0)
    z18 = jnp.zeros((18, _L), f32)
    Knn = jnp.concatenate([jnp.concatenate([rep, z18], axis=0),
                           jnp.concatenate([z18, -rep], axis=0)], axis=1)
    b1nn = jnp.concatenate([en[0]["b"], en[0]["b"]]).reshape(1, 2 * _L)
    pn = [Knn, b1nn,
          en[1]["W"], en[1]["b"].reshape(1, -1),
          en[2]["W"], en[2]["b"].reshape(1, -1),
          params["enc_node"]["ln_g"].reshape(1, -1),
          params["enc_node"]["ln_b"].reshape(1, -1)]
    pe = _mlp_flat(params["enc_edge"])
    pi = _mlp_flat(params["enc_inter"])
    d1 = params["dec_i1"]["layers"]
    d2 = params["dec_i2"]["layers"]
    df = params["dec_fscaler"]["layers"]
    dd = params["dec_dx"]["layers"]
    dcW1 = jnp.concatenate([d1[0]["W"], d2[0]["W"], df[0]["W"], dd[0]["W"]],
                           axis=1)
    dcb1 = jnp.concatenate([d1[0]["b"], d2[0]["b"], df[0]["b"], dd[0]["b"]]
                           ).reshape(1, 512)
    W3f, W3a, W3dx, W3l = d1[2]["W"], d2[2]["W"], dd[2]["W"], df[2]["W"]
    bfv, bav, bdxv, blv = d1[2]["b"], d2[2]["b"], dd[2]["b"], df[2]["b"]

    def cfblk(i):
        blk = jnp.zeros((512, 15), f32)
        blk = blk.at[0:128, 0:3].set(jnp.tile(W3f[:, i:i + 1], (1, 3)))
        blk = blk.at[128:256, 3:6].set(jnp.tile(W3a[:, i:i + 1], (1, 3)))
        blk = blk.at[384:512, 6:9].set(jnp.tile(W3dx[:, i:i + 1], (1, 3)))
        blk = blk.at[0:128, 9:15].set(jnp.tile(W3f[:, i:i + 1], (1, 6)))
        return blk

    def cfb(i):
        return jnp.concatenate(
            [jnp.tile(bfv[i:i + 1], 3), jnp.tile(bav[i:i + 1], 3),
             jnp.tile(bdxv[i:i + 1], 3), jnp.tile(bfv[i:i + 1], 6)])

    lamcol = jnp.zeros((512, 3), f32).at[256:384, 0:1].set(W3l)
    W3big = jnp.concatenate([cfblk(0), cfblk(1), cfblk(2), lamcol], axis=1)
    b3big = jnp.concatenate([cfb(0), cfb(1), cfb(2), blv,
                             jnp.zeros((2,), f32)]).reshape(1, 48)
    edge_weights = (pn + pe + pi
                    + [params["block_ln_g"].reshape(1, _L),
                       params["block_ln_b"].reshape(1, _L),
                       dcW1, dcb1,
                       d1[1]["W"], d1[1]["b"].reshape(1, _L),
                       d2[1]["W"], d2[1]["b"].reshape(1, _L),
                       df[1]["W"], df[1]["b"].reshape(1, _L),
                       dd[1]["W"], dd[1]["b"].reshape(1, _L),
                       W3big, b3big])

    XL, XR = _tc_pack((vector_a, vector_b, vector_c,
                       senders_v_t_, senders_w_t_,
                       receivers_v_t_, receivers_w_t_,
                       senders_pos, receivers_pos, edge_dx_, edge_attr))
    edge_ins = (XL, XR, lats, latr, rho.reshape(_E, 1))
    inter, dxij, scat_rows = _tc_edges(edge_ins, edge_weights)

    rcv2d = receivers.reshape(_E // _SIDX, _SIDX)
    zrows = jnp.zeros((_ACC, 16), f32)
    partials = _sc_scatter(scat_rows, rcv2d, zrows)
    partials = partials[:, :_N, :]

    im = params["inv_mass"]["layers"]
    ii = params["inv_inertia"]["layers"]
    ed = params["ext_dv"]["layers"]
    nmW1 = jnp.concatenate([im[0]["W"], ii[0]["W"], ed[0]["W"]], axis=1)
    nmb1 = jnp.concatenate([im[0]["b"], ii[0]["b"], ed[0]["b"]]
                           ).reshape(1, 384)
    nmW3 = jnp.zeros((384, 8), f32)
    nmW3 = nmW3.at[0:128, 0:1].set(im[2]["W"])
    nmW3 = nmW3.at[128:256, 1:2].set(ii[2]["W"])
    nmW3 = nmW3.at[256:384, 2:5].set(ed[2]["W"])
    nmb3 = jnp.zeros((8,), f32)
    nmb3 = nmb3.at[0:1].set(im[2]["b"])
    nmb3 = nmb3.at[1:2].set(ii[2]["b"])
    nmb3 = nmb3.at[2:5].set(ed[2]["b"])
    nmb3 = nmb3.reshape(1, 8)
    node_weights_packed = (nmW1, nmb1,
                           im[1]["W"], im[1]["b"].reshape(1, _L),
                           ii[1]["W"], ii[1]["b"].reshape(1, _L),
                           ed[1]["W"], ed[1]["b"].reshape(1, _L),
                           nmW3, nmb3)
    dv, dw = _tc_nodes(node_latent, partials, node_weights_packed)
    return (dv, dw, dxij, inter)

# --- scband reference (transcript-rebuilt; emitter-appended) ---
"""Pipeline reference for scband-interaction-block-68504728371711 (READ-ONLY COPY).

The authoritative reference and input builder live on the scoring server;
editing this copy changes nothing except your own understanding.
"""

import jax, jax.numpy as jnp
import numpy as np

N_NODES = 10000
N_EDGES = 320000
LATENT = 128
EDGE_IN_F = 1
MLP_LAYERS = 2

def _init_linear(key, fi, fo):
    k1, k2 = jax.random.split(key)
    lim = 1.0 / np.sqrt(fi)
    return {"W": jax.random.uniform(k1, (fi, fo), minval=-lim, maxval=lim, dtype=jnp.float32),
            "b": jax.random.uniform(k2, (fo,), minval=-lim, maxval=lim, dtype=jnp.float32)}

def _init_mlp(key, fi, hidden, fo, num_layers, lay_norm):
    dims = [fi] + [hidden] * num_layers + [fo]
    keys = jax.random.split(key, len(dims) - 1)
    p = {"layers": [_init_linear(k, a, b) for k, a, b in zip(keys, dims[:-1], dims[1:])]}
    if lay_norm:
        p["ln_g"] = jnp.ones((fo,), jnp.float32)
        p["ln_b"] = jnp.zeros((fo,), jnp.float32)
    return p

def _apply_mlp(p, x):
    L = p["layers"]
    for lyr in L[:-1]:
        x = jax.nn.relu(x @ lyr["W"] + lyr["b"])
    x = x @ L[-1]["W"] + L[-1]["b"]
    if "ln_g" in p:
        mu = x.mean(-1, keepdims=True)
        var = x.var(-1, keepdims=True)
        x = (x - mu) / jnp.sqrt(var + 1e-5) * p["ln_g"] + p["ln_b"]
    return x

def _make_params(key):
    ks = jax.random.split(key, 10)
    return {
        "enc_edge": _init_mlp(ks[0], 1 + EDGE_IN_F, LATENT, LATENT, MLP_LAYERS, True),
        "enc_node": _init_mlp(ks[1], 6, LATENT, LATENT, MLP_LAYERS, True),
        "enc_inter": _init_mlp(ks[2], 3 * LATENT, LATENT, LATENT, MLP_LAYERS, True),
        "dec_i1": _init_mlp(ks[3], LATENT, LATENT, 3, MLP_LAYERS, False),
        "dec_i2": _init_mlp(ks[4], LATENT, LATENT, 3, MLP_LAYERS, False),
        "dec_fscaler": _init_mlp(ks[5], LATENT, LATENT, 1, MLP_LAYERS, False),
        "dec_dx": _init_mlp(ks[6], LATENT, LATENT, 3, MLP_LAYERS, False),
        "inv_mass": _init_mlp(ks[7], LATENT, LATENT, 1, MLP_LAYERS, False),
        "inv_inertia": _init_mlp(ks[8], LATENT, LATENT, 1, MLP_LAYERS, False),
        "ext_dv": _init_mlp(ks[9], LATENT, LATENT, 3, MLP_LAYERS, False),
        "block_ln_g": jnp.ones((LATENT,), jnp.float32),
        "block_ln_b": jnp.zeros((LATENT,), jnp.float32),
    }

def setup_inputs(seed: int = 0):
    key = jax.random.key(seed)
    ks = jax.random.split(key, 20)
    e3 = lambda k: jax.random.normal(k, (N_EDGES, 3), dtype=jnp.float32)
    return {
        "edge_index": jax.random.randint(ks[0], (2, N_EDGES), 0, N_NODES),
        "senders_pos": e3(ks[1]),
        "receivers_pos": e3(ks[2]),
        "edge_dx_": e3(ks[3]),
        "edge_attr": jax.random.normal(ks[4], (N_EDGES, 1), dtype=jnp.float32),
        "vector_a": e3(ks[5]),
        "vector_b": e3(ks[6]),
        "vector_c": e3(ks[7]),
        "senders_v_t_": e3(ks[8]),
        "senders_w_t_": e3(ks[9]),
        "receivers_v_t_": e3(ks[10]),
        "receivers_w_t_": e3(ks[11]),
        "node_latent": jax.random.normal(ks[12], (N_NODES, LATENT), dtype=jnp.float32),
        "node_type": jax.random.randint(ks[13], (N_NODES, 2), 0, 2),
        "node_weights": jax.random.uniform(ks[14], (N_NODES, 1), dtype=jnp.float32) + 0.5,
        "node_vel": jax.random.normal(ks[15], (N_NODES, 3), dtype=jnp.float32),
        "params": _make_params(ks[16]),
    }

def _forward(params, edge_index, node_type, senders_pos, receivers_pos, edge_dx_, edge_attr, vector_a, vector_b, vector_c, senders_v_t_, senders_w_t_, receivers_v_t_, receivers_w_t_, node_latent, node_weights, node_vel):
    senders = edge_index[0]
    receivers = edge_index[1]
    N = node_latent.shape[0]
    # ---- InteractionEncoder ----
    basis = jnp.stack([vector_a, vector_b, vector_c], axis=1)
    project = lambda v: jnp.einsum('eij,ej->ei', basis, v)
    senders_features = jnp.concatenate([project(senders_v_t_), project(senders_w_t_)], axis=1)
    receivers_features = jnp.concatenate([-project(receivers_v_t_), -project(receivers_w_t_)], axis=1)
    edge_features = jnp.concatenate([jnp.linalg.norm(edge_dx_, axis=1, keepdims=True), edge_attr], axis=1)
    spl = _apply_mlp(params["enc_node"], senders_features)
    rpl = _apply_mlp(params["enc_node"], receivers_features)
    el = _apply_mlp(params["enc_edge"], edge_features)
    inter = _apply_mlp(params["enc_inter"], jnp.concatenate([spl + rpl, node_latent[senders] + node_latent[receivers], el], axis=1))
    # ---- block LayerNorm (reconstructed from truncated forward) ----
    mu = inter.mean(-1, keepdims=True)
    var = inter.var(-1, keepdims=True)
    inter = (inter - mu) / jnp.sqrt(var + 1e-5) * params["block_ln_g"] + params["block_ln_b"]
    # ---- InteractionDecoder ----
    coeff_f = _apply_mlp(params["dec_i1"], inter)
    coeff_a = _apply_mlp(params["dec_i2"], inter)
    lambda_ij = _apply_mlp(params["dec_fscaler"], inter)
    coeff_dx = _apply_mlp(params["dec_dx"], inter)
    fij = coeff_f[:, 0:1] * vector_a + coeff_f[:, 1:2] * vector_b + coeff_f[:, 2:3] * vector_c
    aij = coeff_a[:, 0:1] * vector_a + coeff_a[:, 1:2] * vector_b + coeff_a[:, 2:3] * vector_c
    dxij = coeff_dx[:, 0:1] * vector_a + coeff_dx[:, 1:2] * vector_b + coeff_dx[:, 2:3] * vector_c
    is_global = node_type[:, -1] == -1
    is_virtual = (edge_attr == -1).reshape(-1)

    def remove_mean(t, mask, idx):
        mf = mask.astype(t.dtype)
        cnt = jax.ops.segment_sum(mf, idx, num_segments=N)
        s = jax.ops.segment_sum(t * mf[:, None], idx, num_segments=N)
        mean = s / jnp.maximum(cnt, 1.0)[:, None]
        return t - jnp.where(mask[:, None], mean[idx], 0.0)

    mask_in = is_virtual & is_global[receivers]
    fij = remove_mean(fij, mask_in, receivers)
    aij = remove_mean(aij, mask_in, receivers)
    dxij = remove_mean(dxij, mask_in, receivers)
    mask_out = is_virtual & is_global[senders]
    fij = remove_mean(fij, mask_out, senders)
    aij = remove_mean(aij, mask_out, senders)
    dxij = remove_mean(dxij, mask_out, senders)
    w_s = node_weights[senders]
    w_r = node_weights[receivers]
    r0ij = (w_s * senders_pos + w_r * receivers_pos) / (w_s + w_r)
    lever_arm = receivers_pos - r0ij
    torque_contribution = jnp.cross(lever_arm, fij * lambda_ij)
    tauij = aij - torque_contribution
    # ---- Node_Internal_Dv_Decoder ----
    inv_mass = _apply_mlp(params["inv_mass"], node_latent)
    inv_inertia = _apply_mlp(params["inv_inertia"], node_latent)
    net_force = jnp.zeros((N, 3), fij.dtype).at[receivers].add(fij)
    net_torque = jnp.zeros((N, 3), tauij.dtype).at[receivers].add(tauij)
    dv_int = inv_mass * net_force
    dw_int = inv_inertia * net_torque
    # ---- Node_External_Dv_Decoder ----
    is_virtual_edge = edge_attr[:, 0] == -1
    mask_rg = is_virtual_edge & is_global[receivers] & (~is_global[senders])
    dv_raw = _apply_mlp(params["ext_dv"], node_latent)
    mf = mask_rg.astype(dv_raw.dtype)[:, None]
    w_src = node_weights[senders]
    w_sum = jax.ops.segment_sum(w_src * mf, receivers, num_segments=N) + 1e-6
    weighted_sum_body = jax.ops.segment_sum(dv_raw[senders] * w_src * mf, receivers, num_segments=N)
    mean_body = weighted_sum_body / w_sum
    delta_g = dv_raw[receivers] - mean_body[receivers]
    updates = dv_raw[senders] + delta_g
    sidx = jnp.where(mask_rg, senders, N)
    dv_ext = jnp.concatenate([dv_raw, jnp.zeros((1, 3), dv_raw.dtype)], axis=0).at[sidx].set(updates)[:N]
    return (dv_int + dv_ext, dw_int, dxij, inter)

def reference(edge_index, senders_pos, receivers_pos, edge_dx_, edge_attr, vector_a, vector_b, vector_c, senders_v_t_, senders_w_t_, receivers_v_t_, receivers_w_t_, node_latent, node_type, node_weights, node_vel, params):
    return _forward(params, edge_index, node_type, senders_pos, receivers_pos, edge_dx_, edge_attr, vector_a, vector_b, vector_c, senders_v_t_, senders_w_t_, receivers_v_t_, receivers_w_t_, node_latent, node_weights, node_vel)

if __name__ == "__main__":
    import jax
    _d = setup_inputs()
    print(jax.jit(kernel)(*tuple(_d.values())))

</pallas_src>

<mosaic_0001>
#map = affine_map<(d0, d1) -> (0, 0)>
module attributes {stable_mosaic.version = 14 : i64} {
  func.func @_scatter_body(%arg0: i32, %arg1: i32, %arg2: memref<320000x16xf32, #tpu.memory_space<hbm>>, %arg3: memref<3200x100xi32, #tpu.memory_space<hbm>>, %arg4: memref<10240x16xf32, #tpu.memory_space<hbm>>, %arg5: memref<20480x16xf32, #tpu.memory_space<hbm>>, %arg6: memref<400x16xf32, #tpu.memory_space<vmem>>, %arg7: memref<4x100xi32, #tpu.memory_space<vmem>>, %arg8: memref<10240x16xf32, #tpu.memory_space<vmem_shared>>, %arg9: memref<640x16xf32, #tpu.memory_space<vmem>>) attributes {dimension_semantics = [#tpu.dimension_semantics<core_parallel>, #tpu.dimension_semantics<subcore_parallel>], iteration_bounds = array<i64: 2, 16>, scalar_prefetch = 0 : i64, scratch_operands = 4 : i64, tpu.core_type = #tpu.core_type<sc_vector_subcore>, window_params = [{transform_indices = #map}, {transform_indices = #map}, {transform_indices = #map}, {transform_indices = #map}]} {
    %mul3A = arith.constant 2 : i32
    %mul3A_0 = arith.muli %arg1, %mul3A : i32
    %add3A = arith.addi %mul3A_0, %arg0 : i32
    %mul3A_1 = arith.constant 640 : i32
    %mul3A_2 = arith.muli %arg1, %mul3A_1 : i32
    %mul3A_3 = arith.constant 640 : i32
    %mul3A_4 = arith.muli %arg1, %mul3A_3 : i32
    "tpu.region"() ({
      %run_scoped3A = tpu.sem_alloc : memref<!tpu.dma_semaphore, #tpu.memory_space<semaphore_mem>>
      %dma_start3A = arith.constant 0 : i32
      %dma_start3A_20 = tpu.memref_slice %arg8[%mul3A_4, %dma_start3A] : memref<10240x16xf32, #tpu.memory_space<vmem_shared>> -> memref<640x16xf32, #tpu.memory_space<vmem_shared>>
      %dma_start3A_21 = arith.constant 0 : i32
      %dma_start3A_22 = tpu.memref_slice %arg4[%mul3A_2, %dma_start3A_21] : memref<10240x16xf32, #tpu.memory_space<hbm>> -> memref<640x16xf32, #tpu.memory_space<hbm>>
      tpu.enqueue_dma source(%dma_start3A_22 : memref<640x16xf32, #tpu.memory_space<hbm>>) target(%dma_start3A_20 : memref<640x16xf32, #tpu.memory_space<vmem_shared>>) target_semaphore(%run_scoped3A : memref<!tpu.dma_semaphore, #tpu.memory_space<semaphore_mem>>)
      %dma_wait3A = arith.constant 0 : i32
      %dma_wait3A_23 = tpu.memref_slice %arg8[%mul3A_4, %dma_wait3A] : memref<10240x16xf32, #tpu.memory_space<vmem_shared>> -> memref<640x16xf32, #tpu.memory_space<vmem_shared>>
      %dma_wait3A_24 = arith.constant 0 : i32
      %dma_wait3A_25 = tpu.memref_slice %arg4[%mul3A_2, %dma_wait3A_24] : memref<10240x16xf32, #tpu.memory_space<hbm>> -> memref<640x16xf32, #tpu.memory_space<hbm>>
      tpu.wait_dma2 semaphore(%run_scoped3A : memref<!tpu.dma_semaphore, #tpu.memory_space<semaphore_mem>>) src(%dma_wait3A_25 : memref<640x16xf32, #tpu.memory_space<hbm>>) dst(%dma_wait3A_23 : memref<640x16xf32, #tpu.memory_space<vmem_shared>>)
      tpu.yield
    }) : () -> ()
    %barrier3A = arith.constant 0 : index
    tpu.barrier barrier_id(%barrier3A)
    %mul3A_5 = arith.constant 100 : i32
    %mul3A_6 = arith.muli %add3A, %mul3A_5 : i32
    %scan3A = arith.constant 0 : i32
    %scan3A_7 = arith.constant 0 : i32
    %scan3A_8 = arith.constant 25 : i32
    %scan3A_9 = arith.addi %scan3A_7, %scan3A_8 : i32
    %scan3A_10 = arith.constant 1 : i32
    scf.for %scan3A_20 = %scan3A_7 to %scan3A_9 step %scan3A_10  : i32 {
      %mul3A_21 = arith.constant 10000 : i32
      %mul3A_22 = arith.muli %add3A, %mul3A_21 : i32
      %mul3A_23 = arith.constant 400 : i32
      %mul3A_24 = arith.muli %scan3A_20, %mul3A_23 : i32
      %add3A_25 = arith.addi %mul3A_22, %mul3A_24 : i32
      "tpu.region"() ({
        %run_scoped3A_32 = tpu.sem_alloc : memref<!tpu.dma_semaphore, #tpu.memory_space<semaphore_mem>>
        %dma_start3A = arith.constant 0 : i32
        %dma_start3A_33 = tpu.memref_slice %arg2[%add3A_25, %dma_start3A] : memref<320000x16xf32, #tpu.memory_space<hbm>> -> memref<400x16xf32, #tpu.memory_space<hbm>>
        %dma_start3A_34 = arith.constant 0 : i32
        %dma_start3A_35 = tpu.memref_slice %arg2[%add3A_25, %dma_start3A_34] : memref<320000x16xf32, #tpu.memory_space<hbm>> -> memref<400x16xf32, #tpu.memory_space<hbm>>
        tpu.enqueue_dma source(%dma_start3A_35 : memref<400x16xf32, #tpu.memory_space<hbm>>) target(%arg6 : memref<400x16xf32, #tpu.memory_space<vmem>>) target_semaphore(%run_scoped3A_32 : memref<!tpu.dma_semaphore, #tpu.memory_space<semaphore_mem>>)
        %dma_wait3A = arith.constant 0 : i32
        %dma_wait3A_36 = tpu.memref_slice %arg2[%add3A_25, %dma_wait3A] : memref<320000x16xf32, #tpu.memory_space<hbm>> -> memref<400x16xf32, #tpu.memory_space<hbm>>
        %dma_wait3A_37 = arith.constant 0 : i32
        %dma_wait3A_38 = tpu.memref_slice %arg2[%add3A_25, %dma_wait3A_37] : memref<320000x16xf32, #tpu.memory_space<hbm>> -> memref<400x16xf32, #tpu.memory_space<hbm>>
        tpu.wait_dma2 semaphore(%run_scoped3A_32 : memref<!tpu.dma_semaphore, #tpu.memory_space<semaphore_mem>>) src(%dma_wait3A_38 : memref<400x16xf32, #tpu.memory_space<hbm>>) dst(%arg6 : memref<400x16xf32, #tpu.memory_space<vmem>>)
        tpu.yield
      }) : () -> ()
      %mul3A_26 = arith.constant 4 : i32
      %mul3A_27 = arith.muli %scan3A_20, %mul3A_26 : i32
      %add3A_28 = arith.addi %mul3A_6, %mul3A_27 : i32
      "tpu.region"() ({
        %run_scoped3A_32 = tpu.sem_alloc : memref<!tpu.dma_semaphore, #tpu.memory_space<semaphore_mem>>
        %dma_start3A = arith.constant 0 : i32
        %dma_start3A_33 = tpu.memref_slice %arg3[%add3A_28, %dma_start3A] : memref<3200x100xi32, #tpu.memory_space<hbm>> -> memref<4x100xi32, #tpu.memory_space<hbm>>
        %dma_start3A_34 = arith.constant 0 : i32
        %dma_start3A_35 = tpu.memref_slice %arg3[%add3A_28, %dma_start3A_34] : memref<3200x100xi32, #tpu.memory_space<hbm>> -> memref<4x100xi32, #tpu.memory_space<hbm>>
        tpu.enqueue_dma source(%dma_start3A_35 : memref<4x100xi32, #tpu.memory_space<hbm>>) target(%arg7 : memref<4x100xi32, #tpu.memory_space<vmem>>) target_semaphore(%run_scoped3A_32 : memref<!tpu.dma_semaphore, #tpu.memory_space<semaphore_mem>>)
        %dma_wait3A = arith.constant 0 : i32
        %dma_wait3A_36 = tpu.memref_slice %arg3[%add3A_28, %dma_wait3A] : memref<3200x100xi32, #tpu.memory_space<hbm>> -> memref<4x100xi32, #tpu.memory_space<hbm>>
        %dma_wait3A_37 = arith.constant 0 : i32
        %dma_wait3A_38 = tpu.memref_slice %arg3[%add3A_28, %dma_wait3A_37] : memref<3200x100xi32, #tpu.memory_space<hbm>> -> memref<4x100xi32, #tpu.memory_space<hbm>>
        tpu.wait_dma2 semaphore(%run_scoped3A_32 : memref<!tpu.dma_semaphore, #tpu.memory_space<semaphore_mem>>) src(%dma_wait3A_38 : memref<4x100xi32, #tpu.memory_space<hbm>>) dst(%arg7 : memref<4x100xi32, #tpu.memory_space<vmem>>)
        tpu.yield
      }) : () -> ()
      %run_scoped3A = arith.constant 0 : i32
      "tpu.region"() ({
        %run_scoped3A_32 = tpu.sem_alloc : memref<!tpu.dma_semaphore, #tpu.memory_space<semaphore_mem>>
        %dma_start3A = arith.constant 0 : i32
        %dma_start3A_33 = arith.constant 0 : i32
        %dma_start3A_34 = tpu.memref_slice %arg6[%dma_start3A, %dma_start3A_33] : memref<400x16xf32, #tpu.memory_space<vmem>> -> memref<100x16xf32, #tpu.memory_space<vmem>>
        %dma_start3A_35 = arith.constant 0 : i32
        %dma_start3A_36 = tpu.memref_slice %arg7[%run_scoped3A, %dma_start3A_35] : memref<4x100xi32, #tpu.memory_space<vmem>> -> memref<1x100xi32, #tpu.memory_space<vmem>>
        %dma_start3A_37 = tpu.memref_squeeze %dma_start3A_36 : memref<1x100xi32, #tpu.memory_space<vmem>> -> memref<100xi32, #tpu.memory_space<vmem>>
        %dma_start3A_38 = arith.constant 0 : i32
        %dma_start3A_39 = arith.constant 0 : i32
        %dma_start3A_40 = tpu.memref_slice %arg8[%dma_start3A_38, %dma_start3A_39] : memref<10240x16xf32, #tpu.memory_space<vmem_shared>> -> memref<10240x16xf32, #tpu.memory_space<vmem_shared>>
        tpu.enqueue_indirect_dma source(%dma_start3A_34 : memref<100x16xf32, #tpu.memory_space<vmem>>) target(%dma_start3A_40 : memref<10240x16xf32, #tpu.memory_space<vmem_shared>>) offsets(%dma_start3A_37 : memref<100xi32, #tpu.memory_space<vmem>>) semaphore(%run_scoped3A_32 : memref<!tpu.dma_semaphore, #tpu.memory_space<semaphore_mem>>) {add = true}
        %dma_wait3A = arith.constant 0 : i32
        %dma_wait3A_41 = arith.constant 0 : i32
        %dma_wait3A_42 = tpu.memref_slice %arg6[%dma_wait3A, %dma_wait3A_41] : memref<400x16xf32, #tpu.memory_space<vmem>> -> memref<100x16xf32, #tpu.memory_space<vmem>>
        %dma_wait3A_43 = arith.constant 0 : i32
        %dma_wait3A_44 = tpu.memref_slice %arg7[%run_scoped3A, %dma_wait3A_43] : memref<4x100xi32, #tpu.memory_space<vmem>> -> memref<1x100xi32, #tpu.memory_space<vmem>>
        %dma_wait3A_45 = tpu.memref_squeeze %dma_wait3A_44 : memref<1x100xi32, #tpu.memory_space<vmem>> -> memref<100xi32, #tpu.memory_space<vmem>>
        %dma_wait3A_46 = arith.constant 0 : i32
        %dma_wait3A_47 = arith.constant 0 : i32
        %dma_wait3A_48 = tpu.memref_slice %arg8[%dma_wait3A_46, %dma_wait3A_47] : memref<10240x16xf32, #tpu.memory_space<vmem_shared>> -> memref<10240x16xf32, #tpu.memory_space<vmem_shared>>
        tpu.wait_indirect_dma semaphore(%run_scoped3A_32 : memref<!tpu.dma_semaphore, #tpu.memory_space<semaphore_mem>>) src(%dma_wait3A_42 : memref<100x16xf32, #tpu.memory_space<vmem>>) dst(%dma_wait3A_48 : memref<10240x16xf32, #tpu.memory_space<vmem_shared>>)
        tpu.yield
      }) : () -> ()
      %run_scoped3A_29 = arith.constant 1 : i32
      "tpu.region"() ({
        %run_scoped3A_32 = tpu.sem_alloc : memref<!tpu.dma_semaphore, #tpu.memory_space<semaphore_mem>>
        %dma_start3A = arith.constant 100 : i32
        %dma_start3A_33 = arith.constant 0 : i32
        %dma_start3A_34 = tpu.memref_slice %arg6[%dma_start3A, %dma_start3A_33] : memref<400x16xf32, #tpu.memory_space<vmem>> -> memref<100x16xf32, #tpu.memory_space<vmem>>
        %dma_start3A_35 = arith.constant 0 : i32
        %dma_start3A_36 = tpu.memref_slice %arg7[%run_scoped3A_29, %dma_start3A_35] : memref<4x100xi32, #tpu.memory_space<vmem>> -> memref<1x100xi32, #tpu.memory_space<vmem>>
        %dma_start3A_37 = tpu.memref_squeeze %dma_start3A_36 : memref<1x100xi32, #tpu.memory_space<vmem>> -> memref<100xi32, #tpu.memory_space<vmem>>
        %dma_start3A_38 = arith.constant 0 : i32
        %dma_start3A_39 = arith.constant 0 : i32
        %dma_start3A_40 = tpu.memref_slice %arg8[%dma_start3A_38, %dma_start3A_39] : memref<10240x16xf32, #tpu.memory_space<vmem_shared>> -> memref<10240x16xf32, #tpu.memory_space<vmem_shared>>
        tpu.enqueue_indirect_dma source(%dma_start3A_34 : memref<100x16xf32, #tpu.memory_space<vmem>>) target(%dma_start3A_40 : memref<10240x16xf32, #tpu.memory_space<vmem_shared>>) offsets(%dma_start3A_37 : memref<100xi32, #tpu.memory_space<vmem>>) semaphore(%run_scoped3A_32 : memref<!tpu.dma_semaphore, #tpu.memory_space<semaphore_mem>>) {add = true}
        %dma_wait3A = arith.constant 100 : i32
        %dma_wait3A_41 = arith.constant 0 : i32
        %dma_wait3A_42 = tpu.memref_slice %arg6[%dma_wait3A, %dma_wait3A_41] : memref<400x16xf32, #tpu.memory_space<vmem>> -> memref<100x16xf32, #tpu.memory_space<vmem>>
        %dma_wait3A_43 = arith.constant 0 : i32
        %dma_wait3A_44 = tpu.memref_slice %arg7[%run_scoped3A_29, %dma_wait3A_43] : memref<4x100xi32, #tpu.memory_space<vmem>> -> memref<1x100xi32, #tpu.memory_space<vmem>>
        %dma_wait3A_45 = tpu.memref_squeeze %dma_wait3A_44 : memref<1x100xi32, #tpu.memory_space<vmem>> -> memref<100xi32, #tpu.memory_space<vmem>>
        %dma_wait3A_46 = arith.constant 0 : i32
        %dma_wait3A_47 = arith.constant 0 : i32
        %dma_wait3A_48 = tpu.memref_slice %arg8[%dma_wait3A_46, %dma_wait3A_47] : memref<10240x16xf32, #tpu.memory_space<vmem_shared>> -> memref<10240x16xf32, #tpu.memory_space<vmem_shared>>
        tpu.wait_indirect_dma semaphore(%run_scoped3A_32 : memref<!tpu.dma_semaphore, #tpu.memory_space<semaphore_mem>>) src(%dma_wait3A_42 : memref<100x16xf32, #tpu.memory_space<vmem>>) dst(%dma_wait3A_48 : memref<10240x16xf32, #tpu.memory_space<vmem_shared>>)
        tpu.yield
      }) : () -> ()
      %run_scoped3A_30 = arith.constant 2 : i32
      "tpu.region"() ({
        %run_scoped3A_32 = tpu.sem_alloc : memref<!tpu.dma_semaphore, #tpu.memory_space<semaphore_mem>>
        %dma_start3A = arith.constant 200 : i32
        %dma_start3A_33 = arith.constant 0 : i32
        %dma_start3A_34 = tpu.memref_slice %arg6[%dma_start3A, %dma_start3A_33] : memref<400x16xf32, #tpu.memory_space<vmem>> -> memref<100x16xf32, #tpu.memory_space<vmem>>
        %dma_start3A_35 = arith.constant 0 : i32
        %dma_start3A_36 = tpu.memref_slice %arg7[%run_scoped3A_30, %dma_start3A_35] : memref<4x100xi32, #tpu.memory_space<vmem>> -> memref<1x100xi32, #tpu.memory_space<vmem>>
        %dma_start3A_37 = tpu.memref_squeeze %dma_start3A_36 : memref<1x100xi32, #tpu.memory_space<vmem>> -> memref<100xi32, #tpu.memory_space<vmem>>
        %dma_start3A_38 = arith.constant 0 : i32
        %dma_start3A_39 = arith.constant 0 : i32
        %dma_start3A_40 = tpu.memref_slice %arg8[%dma_start3A_38, %dma_start3A_39] : memref<10240x16xf32, #tpu.memory_space<vmem_shared>> -> memref<10240x16xf32, #tpu.memory_space<vmem_shared>>
        tpu.enqueue_indirect_dma source(%dma_start3A_34 : memref<100x16xf32, #tpu.memory_space<vmem>>) target(%dma_start3A_40 : memref<10240x16xf32, #tpu.memory_space<vmem_shared>>) offsets(%dma_start3A_37 : memref<100xi32, #tpu.memory_space<vmem>>) semaphore(%run_scoped3A_32 : memref<!tpu.dma_semaphore, #tpu.memory_space<semaphore_mem>>) {add = true}
        %dma_wait3A = arith.constant 200 : i32
        %dma_wait3A_41 = arith.constant 0 : i32
        %dma_wait3A_42 = tpu.memref_slice %arg6[%dma_wait3A, %dma_wait3A_41] : memref<400x16xf32, #tpu.memory_space<vmem>> -> memref<100x16xf32, #tpu.memory_space<vmem>>
        %dma_wait3A_43 = arith.constant 0 : i32
        %dma_wait3A_44 = tpu.memref_slice %arg7[%run_scoped3A_30, %dma_wait3A_43] : memref<4x100xi32, #tpu.memory_space<vmem>> -> memref<1x100xi32, #tpu.memory_space<vmem>>
        %dma_wait3A_45 = tpu.memref_squeeze %dma_wait3A_44 : memref<1x100xi32, #tpu.memory_space<vmem>> -> memref<100xi32, #tpu.memory_space<vmem>>
        %dma_wait3A_46 = arith.constant 0 : i32
        %dma_wait3A_47 = arith.constant 0 : i32
        %dma_wait3A_48 = tpu.memref_slice %arg8[%dma_wait3A_46, %dma_wait3A_47] : memref<10240x16xf32, #tpu.memory_space<vmem_shared>> -> memref<10240x16xf32, #tpu.memory_space<vmem_shared>>
        tpu.wait_indirect_dma semaphore(%run_scoped3A_32 : memref<!tpu.dma_semaphore, #tpu.memory_space<semaphore_mem>>) src(%dma_wait3A_42 : memref<100x16xf32, #tpu.memory_space<vmem>>) dst(%dma_wait3A_48 : memref<10240x16xf32, #tpu.memory_space<vmem_shared>>)
        tpu.yield
      }) : () -> ()
      %run_scoped3A_31 = arith.constant 3 : i32
      "tpu.region"() ({
        %run_scoped3A_32 = tpu.sem_alloc : memref<!tpu.dma_semaphore, #tpu.memory_space<semaphore_mem>>
        %dma_start3A = arith.constant 300 : i32
        %dma_start3A_33 = arith.constant 0 : i32
        %dma_start3A_34 = tpu.memref_slice %arg6[%dma_start3A, %dma_start3A_33] : memref<400x16xf32, #tpu.memory_space<vmem>> -> memref<100x16xf32, #tpu.memory_space<vmem>>
        %dma_start3A_35 = arith.constant 0 : i32
        %dma_start3A_36 = tpu.memref_slice %arg7[%run_scoped3A_31, %dma_start3A_35] : memref<4x100xi32, #tpu.memory_space<vmem>> -> memref<1x100xi32, #tpu.memory_space<vmem>>
        %dma_start3A_37 = tpu.memref_squeeze %dma_start3A_36 : memref<1x100xi32, #tpu.memory_space<vmem>> -> memref<100xi32, #tpu.memory_space<vmem>>
        %dma_start3A_38 = arith.constant 0 : i32
        %dma_start3A_39 = arith.constant 0 : i32
        %dma_start3A_40 = tpu.memref_slice %arg8[%dma_start3A_38, %dma_start3A_39] : memref<10240x16xf32, #tpu.memory_space<vmem_shared>> -> memref<10240x16xf32, #tpu.memory_space<vmem_shared>>
        tpu.enqueue_indirect_dma source(%dma_start3A_34 : memref<100x16xf32, #tpu.memory_space<vmem>>) target(%dma_start3A_40 : memref<10240x16xf32, #tpu.memory_space<vmem_shared>>) offsets(%dma_start3A_37 : memref<100xi32, #tpu.memory_space<vmem>>) semaphore(%run_scoped3A_32 : memref<!tpu.dma_semaphore, #tpu.memory_space<semaphore_mem>>) {add = true}
        %dma_wait3A = arith.constant 300 : i32
        %dma_wait3A_41 = arith.constant 0 : i32
        %dma_wait3A_42 = tpu.memref_slice %arg6[%dma_wait3A, %dma_wait3A_41] : memref<400x16xf32, #tpu.memory_space<vmem>> -> memref<100x16xf32, #tpu.memory_space<vmem>>
        %dma_wait3A_43 = arith.constant 0 : i32
        %dma_wait3A_44 = tpu.memref_slice %arg7[%run_scoped3A_31, %dma_wait3A_43] : memref<4x100xi32, #tpu.memory_space<vmem>> -> memref<1x100xi32, #tpu.memory_space<vmem>>
        %dma_wait3A_45 = tpu.memref_squeeze %dma_wait3A_44 : memref<1x100xi32, #tpu.memory_space<vmem>> -> memref<100xi32, #tpu.memory_space<vmem>>
        %dma_wait3A_46 = arith.constant 0 : i32
        %dma_wait3A_47 = arith.constant 0 : i32
        %dma_wait3A_48 = tpu.memref_slice %arg8[%dma_wait3A_46, %dma_wait3A_47] : memref<10240x16xf32, #tpu.memory_space<vmem_shared>> -> memref<10240x16xf32, #tpu.memory_space<vmem_shared>>
        tpu.wait_indirect_dma semaphore(%run_scoped3A_32 : memref<!tpu.dma_semaphore, #tpu.memory_space<semaphore_mem>>) src(%dma_wait3A_42 : memref<100x16xf32, #tpu.memory_space<vmem>>) dst(%dma_wait3A_48 : memref<10240x16xf32, #tpu.memory_space<vmem_shared>>)
        tpu.yield
      }) : () -> ()
    }
    %scan3A_11 = arith.constant 25 : i32
    %barrier3A_12 = arith.constant 0 : index
    tpu.barrier barrier_id(%barrier3A_12)
    %mul3A_13 = arith.constant 640 : i32
    %mul3A_14 = arith.muli %arg1, %mul3A_13 : i32
    "tpu.region"() ({
      %run_scoped3A = tpu.sem_alloc : memref<!tpu.dma_semaphore, #tpu.memory_space<semaphore_mem>>
      %dma_start3A = arith.constant 0 : i32
      %dma_start3A_20 = tpu.memref_slice %arg8[%mul3A_14, %dma_start3A] : memref<10240x16xf32, #tpu.memory_space<vmem_shared>> -> memref<640x16xf32, #tpu.memory_space<vmem_shared>>
      %dma_start3A_21 = arith.constant 0 : i32
      %dma_start3A_22 = tpu.memref_slice %arg8[%mul3A_14, %dma_start3A_21] : memref<10240x16xf32, #tpu.memory_space<vmem_shared>> -> memref<640x16xf32, #tpu.memory_space<vmem_shared>>
      tpu.enqueue_dma source(%dma_start3A_22 : memref<640x16xf32, #tpu.memory_space<vmem_shared>>) target(%arg9 : memref<640x16xf32, #tpu.memory_space<vmem>>) target_semaphore(%run_scoped3A : memref<!tpu.dma_semaphore, #tpu.memory_space<semaphore_mem>>)
      %dma_wait3A = arith.constant 0 : i32
      %dma_wait3A_23 = tpu.memref_slice %arg8[%mul3A_14, %dma_wait3A] : memref<10240x16xf32, #tpu.memory_space<vmem_shared>> -> memref<640x16xf32, #tpu.memory_space<vmem_shared>>
      %dma_wait3A_24 = arith.constant 0 : i32
      %dma_wait3A_25 = tpu.memref_slice %arg8[%mul3A_14, %dma_wait3A_24] : memref<10240x16xf32, #tpu.memory_space<vmem_shared>> -> memref<640x16xf32, #tpu.memory_space<vmem_shared>>
      tpu.wait_dma2 semaphore(%run_scoped3A : memref<!tpu.dma_semaphore, #tpu.memory_space<semaphore_mem>>) src(%dma_wait3A_25 : memref<640x16xf32, #tpu.memory_space<vmem_shared>>) dst(%arg9 : memref<640x16xf32, #tpu.memory_space<vmem>>)
      tpu.yield
    }) : () -> ()
    %mul3A_15 = arith.constant 10240 : i32
    %mul3A_16 = arith.muli %arg0, %mul3A_15 : i32
    %mul3A_17 = arith.constant 640 : i32
    %mul3A_18 = arith.muli %arg1, %mul3A_17 : i32
    %add3A_19 = arith.addi %mul3A_16, %mul3A_18 : i32
    "tpu.region"() ({
      %run_scoped3A = tpu.sem_alloc : memref<!tpu.dma_semaphore, #tpu.memory_space<semaphore_mem>>
      %dma_start3A = arith.constant 0 : i32
      %dma_start3A_20 = tpu.memref_slice %arg5[%add3A_19, %dma_start3A] : memref<20480x16xf32, #tpu.memory_space<hbm>> -> memref<640x16xf32, #tpu.memory_space<hbm>>
      %dma_start3A_21 = arith.constant 0 : i32
      %dma_start3A_22 = tpu.memref_slice %arg5[%add3A_19, %dma_start3A_21] : memref<20480x16xf32, #tpu.memory_space<hbm>> -> memref<640x16xf32, #tpu.memory_space<hbm>>
      tpu.enqueue_dma source(%arg9 : memref<640x16xf32, #tpu.memory_space<vmem>>) target(%dma_start3A_22 : memref<640x16xf32, #tpu.memory_space<hbm>>) target_semaphore(%run_scoped3A : memref<!tpu.dma_semaphore, #tpu.memory_space<semaphore_mem>>)
      %dma_wait3A = arith.constant 0 : i32
      %dma_wait3A_23 = tpu.memref_slice %arg5[%add3A_19, %dma_wait3A] : memref<20480x16xf32, #tpu.memory_space<hbm>> -> memref<640x16xf32, #tpu.memory_space<hbm>>
      %dma_wait3A_24 = arith.constant 0 : i32
      %dma_wait3A_25 = tpu.memref_slice %arg5[%add3A_19, %dma_wait3A_24] : memref<20480x16xf32, #tpu.memory_space<hbm>> -> memref<640x16xf32, #tpu.memory_space<hbm>>
      tpu.wait_dma2 semaphore(%run_scoped3A : memref<!tpu.dma_semaphore, #tpu.memory_space<semaphore_mem>>) src(%arg9 : memref<640x16xf32, #tpu.memory_space<vmem>>) dst(%dma_wait3A_25 : memref<640x16xf32, #tpu.memory_space<hbm>>)
      tpu.yield
    }) : () -> ()
    return
  }
}

#map = affine_map<(d0, d1) -> (0, 0)>
#map1 = affine_map<(d0, d1) -> (0)>
module attributes {stable_mosaic.version = 14 : i64} {
  func.func @_gather_body(%arg0: i32, %arg1: i32, %arg2: memref<10000x128xf32, #tpu.memory_space<hbm>>, %arg3: memref<4000x80xi32, #tpu.memory_space<hbm>>, %arg4: memref<4000x80xi32, #tpu.memory_space<hbm>>, %arg5: memref<10000xf32, #tpu.memory_space<hbm>>, %arg6: memref<320000x128xf32, #tpu.memory_space<hbm>>, %arg7: memref<320000x128xf32, #tpu.memory_space<hbm>>, %arg8: memref<320000xf32, #tpu.memory_space<hbm>>, %arg9: memref<1x80xi32, #tpu.memory_space<vmem>>, %arg10: memref<1x80xi32, #tpu.memory_space<vmem>>, %arg11: memref<80x128xf32, #tpu.memory_space<vmem>>, %arg12: memref<80x128xf32, #tpu.memory_space<vmem>>, %arg13: memref<10000xf32, #tpu.memory_space<vmem>>, %arg14: memref<80xf32, #tpu.memory_space<vmem>>, %arg15: memref<!tpu.dma_semaphore, #tpu.memory_space<semaphore_mem>>, %arg16: memref<!tpu.dma_semaphore, #tpu.memory_space<semaphore_mem>>) attributes {dimension_semantics = [#tpu.dimension_semantics<core_parallel>, #tpu.dimension_semantics<subcore_parallel>], iteration_bounds = array<i64: 2, 16>, scalar_prefetch = 0 : i64, scratch_operands = 8 : i64, tpu.core_type = #tpu.core_type<sc_vector_subcore>, window_params = [{transform_indices = #map}, {transform_indices = #map}, {transform_indices = #map}, {transform_indices = #map1}, {transform_indices = #map}, {transform_indices = #map}, {transform_indices = #map1}]} {
    %mul3A = arith.constant 2 : i32
    %mul3A_0 = arith.muli %arg1, %mul3A : i32
    %add3A = arith.addi %mul3A_0, %arg0 : i32
    %mul3A_1 = arith.constant 10000 : i32
    %mul3A_2 = arith.muli %add3A, %mul3A_1 : i32
    %mul3A_3 = arith.constant 125 : i32
    %mul3A_4 = arith.muli %add3A, %mul3A_3 : i32
    "tpu.region"() ({
      %run_scoped3A = tpu.sem_alloc : memref<!tpu.dma_semaphore, #tpu.memory_space<semaphore_mem>>
      tpu.enqueue_dma source(%arg5 : memref<10000xf32, #tpu.memory_space<hbm>>) target(%arg13 : memref<10000xf32, #tpu.memory_space<vmem>>) target_semaphore(%run_scoped3A : memref<!tpu.dma_semaphore, #tpu.memory_space<semaphore_mem>>)
      tpu.wait_dma2 semaphore(%run_scoped3A : memref<!tpu.dma_semaphore, #tpu.memory_space<semaphore_mem>>) src(%arg5 : memref<10000xf32, #tpu.memory_space<hbm>>) dst(%arg13 : memref<10000xf32, #tpu.memory_space<vmem>>)
      tpu.yield
    }) : () -> ()
    %scan3A = arith.constant 0 : i32
    %scan3A_5 = arith.constant 0 : i32
    %scan3A_6 = arith.constant 125 : i32
    %scan3A_7 = arith.addi %scan3A_5, %scan3A_6 : i32
    %scan3A_8 = arith.constant 1 : i32
    scf.for %scan3A_10 = %scan3A_5 to %scan3A_7 step %scan3A_8  : i32 {
      %mul3A_11 = arith.constant 80 : i32
      %mul3A_12 = arith.muli %scan3A_10, %mul3A_11 : i32
      %add3A_13 = arith.addi %mul3A_2, %mul3A_12 : i32
      %add3A_14 = arith.addi %mul3A_4, %scan3A_10 : i32
      "tpu.region"() ({
        %run_scoped3A = tpu.sem_alloc : memref<!tpu.dma_semaphore, #tpu.memory_space<semaphore_mem>>
        %dma_start3A_48 = arith.constant 0 : i32
        %dma_start3A_49 = tpu.memref_slice %arg3[%add3A_14, %dma_start3A_48] : memref<4000x80xi32, #tpu.memory_space<hbm>> -> memref<1x80xi32, #tpu.memory_space<hbm>>
        %dma_start3A_50 = arith.constant 0 : i32
        %dma_start3A_51 = tpu.memref_slice %arg3[%add3A_14, %dma_start3A_50] : memref<4000x80xi32, #tpu.memory_space<hbm>> -> memref<1x80xi32, #tpu.memory_space<hbm>>
        tpu.enqueue_dma source(%dma_start3A_51 : memref<1x80xi32, #tpu.memory_space<hbm>>) target(%arg9 : memref<1x80xi32, #tpu.memory_space<vmem>>) target_semaphore(%run_scoped3A : memref<!tpu.dma_semaphore, #tpu.memory_space<semaphore_mem>>)
        %dma_wait3A_52 = arith.constant 0 : i32
        %dma_wait3A_53 = tpu.memref_slice %arg3[%add3A_14, %dma_wait3A_52] : memref<4000x80xi32, #tpu.memory_space<hbm>> -> memref<1x80xi32, #tpu.memory_space<hbm>>
        %dma_wait3A_54 = arith.constant 0 : i32
        %dma_wait3A_55 = tpu.memref_slice %arg3[%add3A_14, %dma_wait3A_54] : memref<4000x80xi32, #tpu.memory_space<hbm>> -> memref<1x80xi32, #tpu.memory_space<hbm>>
        tpu.wait_dma2 semaphore(%run_scoped3A : memref<!tpu.dma_semaphore, #tpu.memory_space<semaphore_mem>>) src(%dma_wait3A_55 : memref<1x80xi32, #tpu.memory_space<hbm>>) dst(%arg9 : memref<1x80xi32, #tpu.memory_space<vmem>>)
        tpu.yield
      }) : () -> ()
      %add3A_15 = arith.addi %mul3A_4, %scan3A_10 : i32
      "tpu.region"() ({
        %run_scoped3A = tpu.sem_alloc : memref<!tpu.dma_semaphore, #tpu.memory_space<semaphore_mem>>
        %dma_start3A_48 = arith.constant 0 : i32
        %dma_start3A_49 = tpu.memref_slice %arg4[%add3A_15, %dma_start3A_48] : memref<4000x80xi32, #tpu.memory_space<hbm>> -> memref<1x80xi32, #tpu.memory_space<hbm>>
        %dma_start3A_50 = arith.constant 0 : i32
        %dma_start3A_51 = tpu.memref_slice %arg4[%add3A_15, %dma_start3A_50] : memref<4000x80xi32, #tpu.memory_space<hbm>> -> memref<1x80xi32, #tpu.memory_space<hbm>>
        tpu.enqueue_dma source(%dma_start3A_51 : memref<1x80xi32, #tpu.memory_space<hbm>>) target(%arg10 : memref<1x80xi32, #tpu.memory_space<vmem>>) target_semaphore(%run_scoped3A : memref<!tpu.dma_semaphore, #tpu.memory_space<semaphore_mem>>)
        %dma_wait3A_52 = arith.constant 0 : i32
        %dma_wait3A_53 = tpu.memref_slice %arg4[%add3A_15, %dma_wait3A_52] : memref<4000x80xi32, #tpu.memory_space<hbm>> -> memref<1x80xi32, #tpu.memory_space<hbm>>
        %dma_wait3A_54 = arith.constant 0 : i32
        %dma_wait3A_55 = tpu.memref_slice %arg4[%add3A_15, %dma_wait3A_54] : memref<4000x80xi32, #tpu.memory_space<hbm>> -> memref<1x80xi32, #tpu.memory_space<hbm>>
        tpu.wait_dma2 semaphore(%run_scoped3A : memref<!tpu.dma_semaphore, #tpu.memory_space<semaphore_mem>>) src(%dma_wait3A_55 : memref<1x80xi32, #tpu.memory_space<hbm>>) dst(%arg10 : memref<1x80xi32, #tpu.memory_space<vmem>>)
        tpu.yield
      }) : () -> ()
      %dma_start3A = arith.constant 0 : i32
      %dma_start3A_16 = arith.constant 0 : i32
      %dma_start3A_17 = tpu.memref_slice %arg9[%dma_start3A, %dma_start3A_16] : memref<1x80xi32, #tpu.memory_space<vmem>> -> memref<1x80xi32, #tpu.memory_space<vmem>>
      %dma_start3A_18 = tpu.memref_squeeze %dma_start3A_17 : memref<1x80xi32, #tpu.memory_space<vmem>> -> memref<80xi32, #tpu.memory_space<vmem>>
      %dma_start3A_19 = arith.constant 0 : i32
      %dma_start3A_20 = arith.constant 0 : i32
      %dma_start3A_21 = tpu.memref_slice %arg2[%dma_start3A_19, %dma_start3A_20] : memref<10000x128xf32, #tpu.memory_space<hbm>> -> memref<10000x128xf32, #tpu.memory_space<hbm>>
      tpu.enqueue_indirect_dma source(%dma_start3A_21 : memref<10000x128xf32, #tpu.memory_space<hbm>>) target(%arg11 : memref<80x128xf32, #tpu.memory_space<vmem>>) offsets(%dma_start3A_18 : memref<80xi32, #tpu.memory_space<vmem>>) semaphore(%arg15 : memref<!tpu.dma_semaphore, #tpu.memory_space<semaphore_mem>>)
      %dma_start3A_22 = arith.constant 0 : i32
      %dma_start3A_23 = arith.constant 0 : i32
      %dma_start3A_24 = tpu.memref_slice %arg10[%dma_start3A_22, %dma_start3A_23] : memref<1x80xi32, #tpu.memory_space<vmem>> -> memref<1x80xi32, #tpu.memory_space<vmem>>
      %dma_start3A_25 = tpu.memref_squeeze %dma_start3A_24 : memref<1x80xi32, #tpu.memory_space<vmem>> -> memref<80xi32, #tpu.memory_space<vmem>>
      %dma_start3A_26 = arith.constant 0 : i32
      %dma_start3A_27 = arith.constant 0 : i32
      %dma_start3A_28 = tpu.memref_slice %arg2[%dma_start3A_26, %dma_start3A_27] : memref<10000x128xf32, #tpu.memory_space<hbm>> -> memref<10000x128xf32, #tpu.memory_space<hbm>>
      tpu.enqueue_indirect_dma source(%dma_start3A_28 : memref<10000x128xf32, #tpu.memory_space<hbm>>) target(%arg12 : memref<80x128xf32, #tpu.memory_space<vmem>>) offsets(%dma_start3A_25 : memref<80xi32, #tpu.memory_space<vmem>>) semaphore(%arg16 : memref<!tpu.dma_semaphore, #tpu.memory_space<semaphore_mem>>)
      %scan3A_29 = arith.constant 0 : i32
      %scan3A_30 = arith.constant 0 : i32
      %scan3A_31 = arith.constant 5 : i32
      %scan3A_32 = arith.addi %scan3A_30, %scan3A_31 : i32
      %scan3A_33 = arith.constant 1 : i32
      scf.for %scan3A_48 = %scan3A_30 to %scan3A_32 step %scan3A_33  : i32 {
        %mul3A_49 = arith.constant 16 : i32
        %mul3A_50 = arith.muli %scan3A_48, %mul3A_49 : i32
        %get3A = arith.constant 0 : i32
        %get3A_51 = arith.index_cast %get3A : i32 to index
        %get3A_52 = arith.index_cast %mul3A_50 : i32 to index
        %get3A_53 = tpu.vector_load %arg9[%get3A_51, %get3A_52] {strides = array<i32>} : memref<1x80xi32, #tpu.memory_space<vmem>>, vector<16xi32>,
        %gather3A = tpu.vector_load_idx %arg13[%get3A_53] : memref<10000xf32, #tpu.memory_space<vmem>>[vector<16xi32>], vector<16xf32>,
        %get3A_54 = arith.constant 0 : i32
        %get3A_55 = arith.index_cast %get3A_54 : i32 to index
        %get3A_56 = arith.index_cast %mul3A_50 : i32 to index
        %get3A_57 = tpu.vector_load %arg10[%get3A_55, %get3A_56] {strides = array<i32>} : memref<1x80xi32, #tpu.memory_space<vmem>>, vector<16xi32>,
        %gather3A_58 = tpu.vector_load_idx %arg13[%get3A_57] : memref<10000xf32, #tpu.memory_space<vmem>>[vector<16xi32>], vector<16xf32>,
        %add3A_59 = arith.addf %gather3A, %gather3A_58 : vector<16xf32>
        %div3A = arith.divf %gather3A, %add3A_59 : vector<16xf32>
        %swap3A = arith.index_cast %mul3A_50 : i32 to index
        %swap3A_60 = tpu.vector_load %arg14[%swap3A] {strides = array<i32>} : memref<80xf32, #tpu.memory_space<vmem>>, vector<16xf32>,
        tpu.vector_store %arg14[%swap3A], %div3A {strides = array<i32>} : memref<80xf32, #tpu.memory_space<vmem>>, vector<16xf32>,
      }
      %scan3A_34 = arith.constant 5 : i32
      "tpu.region"() ({
        %run_scoped3A = tpu.sem_alloc : memref<!tpu.dma_semaphore, #tpu.memory_space<semaphore_mem>>
        %dma_start3A_48 = tpu.memref_slice %arg8[%add3A_13] : memref<320000xf32, #tpu.memory_space<hbm>> -> memref<80xf32, #tpu.memory_space<hbm>>
        %dma_start3A_49 = tpu.memref_slice %arg8[%add3A_13] : memref<320000xf32, #tpu.memory_space<hbm>> -> memref<80xf32, #tpu.memory_space<hbm>>
        tpu.enqueue_dma source(%arg14 : memref<80xf32, #tpu.memory_space<vmem>>) target(%dma_start3A_49 : memref<80xf32, #tpu.memory_space<hbm>>) target_semaphore(%run_scoped3A : memref<!tpu.dma_semaphore, #tpu.memory_space<semaphore_mem>>)
        %dma_wait3A_50 = tpu.memref_slice %arg8[%add3A_13] : memref<320000xf32, #tpu.memory_space<hbm>> -> memref<80xf32, #tpu.memory_space<hbm>>
        %dma_wait3A_51 = tpu.memref_slice %arg8[%add3A_13] : memref<320000xf32, #tpu.memory_space<hbm>> -> memref<80xf32, #tpu.memory_space<hbm>>
        tpu.wait_dma2 semaphore(%run_scoped3A : memref<!tpu.dma_semaphore, #tpu.memory_space<semaphore_mem>>) src(%arg14 : memref<80xf32, #tpu.memory_space<vmem>>) dst(%dma_wait3A_51 : memref<80xf32, #tpu.memory_space<hbm>>)
        tpu.yield
      }) : () -> ()
      %dma_wait3A = arith.constant 0 : i32
      %dma_wait3A_35 = arith.constant 0 : i32
      %dma_wait3A_36 = tpu.memref_slice %arg9[%dma_wait3A, %dma_wait3A_35] : memref<1x80xi32, #tpu.memory_space<vmem>> -> memref<1x80xi32, #tpu.memory_space<vmem>>
      %dma_wait3A_37 = tpu.memref_squeeze %dma_wait3A_36 : memref<1x80xi32, #tpu.memory_space<vmem>> -> memref<80xi32, #tpu.memory_space<vmem>>
      %dma_wait3A_38 = arith.constant 0 : i32
      %dma_wait3A_39 = arith.constant 0 : i32
      %dma_wait3A_40 = tpu.memref_slice %arg2[%dma_wait3A_38, %dma_wait3A_39] : memref<10000x128xf32, #tpu.memory_space<hbm>> -> memref<10000x128xf32, #tpu.memory_space<hbm>>
      tpu.wait_indirect_dma semaphore(%arg15 : memref<!tpu.dma_semaphore, #tpu.memory_space<semaphore_mem>>) src(%dma_wait3A_40 : memref<10000x128xf32, #tpu.memory_space<hbm>>) dst(%arg11 : memref<80x128xf32, #tpu.memory_space<vmem>>)
      %dma_wait3A_41 = arith.constant 0 : i32
      %dma_wait3A_42 = arith.constant 0 : i32
      %dma_wait3A_43 = tpu.memref_slice %arg10[%dma_wait3A_41, %dma_wait3A_42] : memref<1x80xi32, #tpu.memory_space<vmem>> -> memref<1x80xi32, #tpu.memory_space<vmem>>
      %dma_wait3A_44 = tpu.memref_squeeze %dma_wait3A_43 : memref<1x80xi32, #tpu.memory_space<vmem>> -> memref<80xi32, #tpu.memory_space<vmem>>
      %dma_wait3A_45 = arith.constant 0 : i32
      %dma_wait3A_46 = arith.constant 0 : i32
      %dma_wait3A_47 = tpu.memref_slice %arg2[%dma_wait3A_45, %dma_wait3A_46] : memref<10000x128xf32, #tpu.memory_space<hbm>> -> memref<10000x128xf32, #tpu.memory_space<hbm>>
      tpu.wait_indirect_dma semaphore(%arg16 : memref<!tpu.dma_semaphore, #tpu.memory_space<semaphore_mem>>) src(%dma_wait3A_47 : memref<10000x128xf32, #tpu.memory_space<hbm>>) dst(%arg12 : memref<80x128xf32, #tpu.memory_space<vmem>>)
      "tpu.region"() ({
        %run_scoped3A = tpu.sem_alloc : memref<!tpu.dma_semaphore, #tpu.memory_space<semaphore_mem>>
        %dma_start3A_48 = arith.constant 0 : i32
        %dma_start3A_49 = tpu.memref_slice %arg6[%add3A_13, %dma_start3A_48] : memref<320000x128xf32, #tpu.memory_space<hbm>> -> memref<80x128xf32, #tpu.memory_space<hbm>>
        %dma_start3A_50 = arith.constant 0 : i32
        %dma_start3A_51 = tpu.memref_slice %arg6[%add3A_13, %dma_start3A_50] : memref<320000x128xf32, #tpu.memory_space<hbm>> -> memref<80x128xf32, #tpu.memory_space<hbm>>
        tpu.enqueue_dma source(%arg11 : memref<80x128xf32, #tpu.memory_space<vmem>>) target(%dma_start3A_51 : memref<80x128xf32, #tpu.memory_space<hbm>>) target_semaphore(%run_scoped3A : memref<!tpu.dma_semaphore, #tpu.memory_space<semaphore_mem>>)
        %dma_wait3A_52 = arith.constant 0 : i32
        %dma_wait3A_53 = tpu.memref_slice %arg6[%add3A_13, %dma_wait3A_52] : memref<320000x128xf32, #tpu.memory_space<hbm>> -> memref<80x128xf32, #tpu.memory_space<hbm>>
        %dma_wait3A_54 = arith.constant 0 : i32
        %dma_wait3A_55 = tpu.memref_slice %arg6[%add3A_13, %dma_wait3A_54] : memref<320000x128xf32, #tpu.memory_space<hbm>> -> memref<80x128xf32, #tpu.memory_space<hbm>>
        tpu.wait_dma2 semaphore(%run_scoped3A : memref<!tpu.dma_semaphore, #tpu.memory_space<semaphore_mem>>) src(%arg11 : memref<80x128xf32, #tpu.memory_space<vmem>>) dst(%dma_wait3A_55 : memref<80x128xf32, #tpu.memory_space<hbm>>)
        tpu.yield
      }) : () -> ()
      "tpu.region"() ({
        %run_scoped3A = tpu.sem_alloc : memref<!tpu.dma_semaphore, #tpu.memory_space<semaphore_mem>>
        %dma_start3A_48 = arith.constant 0 : i32
        %dma_start3A_49 = tpu.memref_slice %arg7[%add3A_13, %dma_start3A_48] : memref<320000x128xf32, #tpu.memory_space<hbm>> -> memref<80x128xf32, #tpu.memory_space<hbm>>
        %dma_start3A_50 = arith.constant 0 : i32
        %dma_start3A_51 = tpu.memref_slice %arg7[%add3A_13, %dma_start3A_50] : memref<320000x128xf32, #tpu.memory_space<hbm>> -> memref<80x128xf32, #tpu.memory_space<hbm>>
        tpu.enqueue_dma source(%arg12 : memref<80x128xf32, #tpu.memory_space<vmem>>) target(%dma_start3A_51 : memref<80x128xf32, #tpu.memory_space<hbm>>) target_semaphore(%run_scoped3A : memref<!tpu.dma_semaphore, #tpu.memory_space<semaphore_mem>>)
        %dma_wait3A_52 = arith.constant 0 : i32
        %dma_wait3A_53 = tpu.memref_slice %arg7[%add3A_13, %dma_wait3A_52] : memref<320000x128xf32, #tpu.memory_space<hbm>> -> memref<80x128xf32, #tpu.memory_space<hbm>>
        %dma_wait3A_54 = arith.constant 0 : i32
        %dma_wait3A_55 = tpu.memref_slice %arg7[%add3A_13, %dma_wait3A_54] : memref<320000x128xf32, #tpu.memory_space<hbm>> -> memref<80x128xf32, #tpu.memory_space<hbm>>
        tpu.wait_dma2 semaphore(%run_scoped3A : memref<!tpu.dma_semaphore, #tpu.memory_space<semaphore_mem>>) src(%arg12 : memref<80x128xf32, #tpu.memory_space<vmem>>) dst(%dma_wait3A_55 : memref<80x128xf32, #tpu.memory_space<hbm>>)
        tpu.yield
      }) : () -> ()
    }
    %scan3A_9 = arith.constant 125 : i32
    return
  }
}

module attributes {stable_mosaic.version = 14 : i64} {
  func.func @_pack_body(%arg0: i32, %arg1: memref<800x3xf32, #tpu.memory_space<vmem>>, %arg2: memref<800x3xf32, #tpu.memory_space<vmem>>, %arg3: memref<800x3xf32, #tpu.memory_space<vmem>>, %arg4: memref<800x3xf32, #tpu.memory_space<vmem>>, %arg5: memref<800x3xf32, #tpu.memory_space<vmem>>, %arg6: memref<800x3xf32, #tpu.memory_space<vmem>>, %arg7: memref<800x3xf32, #tpu.memory_space<vmem>>, %arg8: memref<800x3xf32, #tpu.memory_space<vmem>>, %arg9: memref<800x3xf32, #tpu.memory_space<vmem>>, %arg10: memref<800x3xf32, #tpu.memory_space<vmem>>, %arg11: memref<800x1xf32, #tpu.memory_space<vmem>>, %arg12: memref<800x128xf32, #tpu.memory_space<vmem>>, %arg13: memref<800x128xf32, #tpu.memory_space<vmem>>) attributes {dimension_semantics = [#tpu.dimension_semantics<arbitrary>], iteration_bounds = array<i64: 400>, scalar_prefetch = 0 : i64, scratch_operands = 0 : i64, tpu.core_type = #tpu.core_type<tc>, window_params = [{transform_indices = @transform_0, window_bounds = array<i64: 800, 3>}, {transform_indices = @transform_1, window_bounds = array<i64: 800, 3>}, {transform_indices = @transform_2, window_bounds = array<i64: 800, 3>}, {transform_indices = @transform_3, window_bounds = array<i64: 800, 3>}, {transform_indices = @transform_4, window_bounds = array<i64: 800, 3>}, {transform_indices = @transform_5, window_bounds = array<i64: 800, 3>}, {transform_indices = @transform_6, window_bounds = array<i64: 800, 3>}, {transform_indices = @transform_7, window_bounds = array<i64: 800, 3>}, {transform_indices = @transform_8, window_bounds = array<i64: 800, 3>}, {transform_indices = @transform_9, window_bounds = array<i64: 800, 3>}, {transform_indices = @transform_10, window_bounds = array<i64: 800, 1>}, {transform_indices = @transform_11, window_bounds = array<i64: 800, 128>}, {transform_indices = @transform_12, window_bounds = array<i64: 800, 128>}]} {
    %get3A = arith.constant 0 : index
    %get3A_0 = arith.constant 0 : index
    %get3A_1 = vector.load %arg1[%get3A, %get3A_0] : memref<800x3xf32, #tpu.memory_space<vmem>>, vector<800x3xf32>
    %get3A_2 = arith.constant 0 : index
    %get3A_3 = arith.constant 0 : index
    %get3A_4 = vector.load %arg2[%get3A_2, %get3A_3] : memref<800x3xf32, #tpu.memory_space<vmem>>, vector<800x3xf32>
    %get3A_5 = arith.constant 0 : index
    %get3A_6 = arith.constant 0 : index
    %get3A_7 = vector.load %arg3[%get3A_5, %get3A_6] : memref<800x3xf32, #tpu.memory_space<vmem>>, vector<800x3xf32>
    %concatenate3A = tpu.concatenate %get3A_1, %get3A_4, %get3A_7 in 1 : vector<800x3xf32>, vector<800x3xf32>, vector<800x3xf32> -> vector<800x9xf32>
    %get3A_8 = arith.constant 0 : index
    %get3A_9 = arith.constant 0 : index
    %get3A_10 = vector.load %arg8[%get3A_8, %get3A_9] : memref<800x3xf32, #tpu.memory_space<vmem>>, vector<800x3xf32>
    %get3A_11 = arith.constant 0 : index
    %get3A_12 = arith.constant 0 : index
    %get3A_13 = vector.load %arg9[%get3A_11, %get3A_12] : memref<800x3xf32, #tpu.memory_space<vmem>>, vector<800x3xf32>
    %slice3A = vector.extract_strided_slice %get3A_1 {offsets = [0, 1], sizes = [800, 2], strides = [1, 1]} : vector<800x3xf32> to vector<800x2xf32>
    %slice3A_14 = vector.extract_strided_slice %get3A_1 {offsets = [0, 0], sizes = [800, 1], strides = [1, 1]} : vector<800x3xf32> to vector<800x1xf32>
    %concatenate3A_15 = tpu.concatenate %slice3A, %slice3A_14 in 1 : vector<800x2xf32>, vector<800x1xf32> -> vector<800x3xf32>
    %slice3A_16 = vector.extract_strided_slice %get3A_1 {offsets = [0, 2], sizes = [800, 1], strides = [1, 1]} : vector<800x3xf32> to vector<800x1xf32>
    %slice3A_17 = vector.extract_strided_slice %get3A_1 {offsets = [0, 0], sizes = [800, 2], strides = [1, 1]} : vector<800x3xf32> to vector<800x2xf32>
    %concatenate3A_18 = tpu.concatenate %slice3A_16, %slice3A_17 in 1 : vector<800x1xf32>, vector<800x2xf32> -> vector<800x3xf32>
    %concatenate3A_19 = tpu.concatenate %get3A_1, %get3A_1, %get3A_1, %concatenate3A_15, %concatenate3A_18 in 1 : vector<800x3xf32>, vector<800x3xf32>, vector<800x3xf32>, vector<800x3xf32>, vector<800x3xf32> -> vector<800x15xf32>
    %slice3A_20 = vector.extract_strided_slice %get3A_4 {offsets = [0, 1], sizes = [800, 2], strides = [1, 1]} : vector<800x3xf32> to vector<800x2xf32>
    %slice3A_21 = vector.extract_strided_slice %get3A_4 {offsets = [0, 0], sizes = [800, 1], strides = [1, 1]} : vector<800x3xf32> to vector<800x1xf32>
    %concatenate3A_22 = tpu.concatenate %slice3A_20, %slice3A_21 in 1 : vector<800x2xf32>, vector<800x1xf32> -> vector<800x3xf32>
    %slice3A_23 = vector.extract_strided_slice %get3A_4 {offsets = [0, 2], sizes = [800, 1], strides = [1, 1]} : vector<800x3xf32> to vector<800x1xf32>
    %slice3A_24 = vector.extract_strided_slice %get3A_4 {offsets = [0, 0], sizes = [800, 2], strides = [1, 1]} : vector<800x3xf32> to vector<800x2xf32>
    %concatenate3A_25 = tpu.concatenate %slice3A_23, %slice3A_24 in 1 : vector<800x1xf32>, vector<800x2xf32> -> vector<800x3xf32>
    %concatenate3A_26 = tpu.concatenate %get3A_4, %get3A_4, %get3A_4, %concatenate3A_22, %concatenate3A_25 in 1 : vector<800x3xf32>, vector<800x3xf32>, vector<800x3xf32>, vector<800x3xf32>, vector<800x3xf32> -> vector<800x15xf32>
    %slice3A_27 = vector.extract_strided_slice %get3A_7 {offsets = [0, 1], sizes = [800, 2], strides = [1, 1]} : vector<800x3xf32> to vector<800x2xf32>
    %slice3A_28 = vector.extract_strided_slice %get3A_7 {offsets = [0, 0], sizes = [800, 1], strides = [1, 1]} : vector<800x3xf32> to vector<800x1xf32>
    %concatenate3A_29 = tpu.concatenate %slice3A_27, %slice3A_28 in 1 : vector<800x2xf32>, vector<800x1xf32> -> vector<800x3xf32>
    %slice3A_30 = vector.extract_strided_slice %get3A_7 {offsets = [0, 2], sizes = [800, 1], strides = [1, 1]} : vector<800x3xf32> to vector<800x1xf32>
    %slice3A_31 = vector.extract_strided_slice %get3A_7 {offsets = [0, 0], sizes = [800, 2], strides = [1, 1]} : vector<800x3xf32> to vector<800x2xf32>
    %concatenate3A_32 = tpu.concatenate %slice3A_30, %slice3A_31 in 1 : vector<800x1xf32>, vector<800x2xf32> -> vector<800x3xf32>
    %concatenate3A_33 = tpu.concatenate %get3A_7, %get3A_7, %get3A_7, %concatenate3A_29, %concatenate3A_32 in 1 : vector<800x3xf32>, vector<800x3xf32>, vector<800x3xf32>, vector<800x3xf32>, vector<800x3xf32> -> vector<800x15xf32>
    %slice3A_34 = vector.extract_strided_slice %get3A_10 {offsets = [0, 1], sizes = [800, 2], strides = [1, 1]} : vector<800x3xf32> to vector<800x2xf32>
    %slice3A_35 = vector.extract_strided_slice %get3A_10 {offsets = [0, 0], sizes = [800, 1], strides = [1, 1]} : vector<800x3xf32> to vector<800x1xf32>
    %concatenate3A_36 = tpu.concatenate %slice3A_34, %slice3A_35 in 1 : vector<800x2xf32>, vector<800x1xf32> -> vector<800x3xf32>
    %slice3A_37 = vector.extract_strided_slice %get3A_13 {offsets = [0, 1], sizes = [800, 2], strides = [1, 1]} : vector<800x3xf32> to vector<800x2xf32>
    %slice3A_38 = vector.extract_strided_slice %get3A_13 {offsets = [0, 0], sizes = [800, 1], strides = [1, 1]} : vector<800x3xf32> to vector<800x1xf32>
    %concatenate3A_39 = tpu.concatenate %slice3A_37, %slice3A_38 in 1 : vector<800x2xf32>, vector<800x1xf32> -> vector<800x3xf32>
    %slice3A_40 = vector.extract_strided_slice %get3A_10 {offsets = [0, 2], sizes = [800, 1], strides = [1, 1]} : vector<800x3xf32> to vector<800x1xf32>
    %slice3A_41 = vector.extract_strided_slice %get3A_10 {offsets = [0, 0], sizes = [800, 2], strides = [1, 1]} : vector<800x3xf32> to vector<800x2xf32>
    %concatenate3A_42 = tpu.concatenate %slice3A_40, %slice3A_41 in 1 : vector<800x1xf32>, vector<800x2xf32> -> vector<800x3xf32>
    %slice3A_43 = vector.extract_strided_slice %get3A_13 {offsets = [0, 2], sizes = [800, 1], strides = [1, 1]} : vector<800x3xf32> to vector<800x1xf32>
    %slice3A_44 = vector.extract_strided_slice %get3A_13 {offsets = [0, 0], sizes = [800, 2], strides = [1, 1]} : vector<800x3xf32> to vector<800x2xf32>
    %concatenate3A_45 = tpu.concatenate %slice3A_43, %slice3A_44 in 1 : vector<800x1xf32>, vector<800x2xf32> -> vector<800x3xf32>
    %get3A_46 = arith.constant 0 : index
    %get3A_47 = arith.constant 0 : index
    %get3A_48 = vector.load %arg10[%get3A_46, %get3A_47] : memref<800x3xf32, #tpu.memory_space<vmem>>, vector<800x3xf32>
    %get3A_49 = arith.constant 0 : index
    %get3A_50 = arith.constant 0 : index
    %get3A_51 = vector.load %arg11[%get3A_49, %get3A_50] : memref<800x1xf32, #tpu.memory_space<vmem>>, vector<800x1xf32>
    %broadcast_in_dim3A = arith.constant 0.000000e+00 : f32
    %broadcast_in_dim3A_52 = vector.broadcast %broadcast_in_dim3A : f32 to vector<800x31xf32>
    %concatenate3A_53 = tpu.concatenate %concatenate3A, %concatenate3A, %concatenate3A, %concatenate3A, %concatenate3A_19, %concatenate3A_26, %concatenate3A_33, %concatenate3A_36, %concatenate3A_39, %concatenate3A_42, %concatenate3A_45, %get3A_48, %get3A_51, %broadcast_in_dim3A_52 in 1 : vector<800x9xf32>, vector<800x9xf32>, vector<800x9xf32>, vector<800x9xf32>, vector<800x15xf32>, vector<800x15xf32>, vector<800x15xf32>, vector<800x3xf32>, vector<800x3xf32>, vector<800x3xf32>, vector<800x3xf32>, vector<800x3xf32>, vector<800x1xf32>, vector<800x31xf32> -> vector<800x128xf32>
    %swap3A = arith.constant 0 : index
    %swap3A_54 = arith.constant 0 : index
    %swap3A_55 = vector.load %arg12[%swap3A, %swap3A_54] : memref<800x128xf32, #tpu.memory_space<vmem>>, vector<800x128xf32>
    tpu.vector_store %arg12[%swap3A, %swap3A_54], %concatenate3A_53 {strides = array<i32>} : memref<800x128xf32, #tpu.memory_space<vmem>>, vector<800x128xf32>,
    %get3A_56 = arith.constant 0 : index
    %get3A_57 = arith.constant 0 : index
    %get3A_58 = vector.load %arg4[%get3A_56, %get3A_57] : memref<800x3xf32, #tpu.memory_space<vmem>>, vector<800x3xf32>
    %get3A_59 = arith.constant 0 : index
    %get3A_60 = arith.constant 0 : index
    %get3A_61 = vector.load %arg4[%get3A_59, %get3A_60] : memref<800x3xf32, #tpu.memory_space<vmem>>, vector<800x3xf32>
    %get3A_62 = arith.constant 0 : index
    %get3A_63 = arith.constant 0 : index
    %get3A_64 = vector.load %arg4[%get3A_62, %get3A_63] : memref<800x3xf32, #tpu.memory_space<vmem>>, vector<800x3xf32>
    %concatenate3A_65 = tpu.concatenate %get3A_58, %get3A_61, %get3A_64 in 1 : vector<800x3xf32>, vector<800x3xf32>, vector<800x3xf32> -> vector<800x9xf32>
    %get3A_66 = arith.constant 0 : index
    %get3A_67 = arith.constant 0 : index
    %get3A_68 = vector.load %arg5[%get3A_66, %get3A_67] : memref<800x3xf32, #tpu.memory_space<vmem>>, vector<800x3xf32>
    %get3A_69 = arith.constant 0 : index
    %get3A_70 = arith.constant 0 : index
    %get3A_71 = vector.load %arg5[%get3A_69, %get3A_70] : memref<800x3xf32, #tpu.memory_space<vmem>>, vector<800x3xf32>
    %get3A_72 = arith.constant 0 : index
    %get3A_73 = arith.constant 0 : index
    %get3A_74 = vector.load %arg5[%get3A_72, %get3A_73] : memref<800x3xf32, #tpu.memory_space<vmem>>, vector<800x3xf32>
    %concatenate3A_75 = tpu.concatenate %get3A_68, %get3A_71, %get3A_74 in 1 : vector<800x3xf32>, vector<800x3xf32>, vector<800x3xf32> -> vector<800x9xf32>
    %get3A_76 = arith.constant 0 : index
    %get3A_77 = arith.constant 0 : index
    %get3A_78 = vector.load %arg6[%get3A_76, %get3A_77] : memref<800x3xf32, #tpu.memory_space<vmem>>, vector<800x3xf32>
    %get3A_79 = arith.constant 0 : index
    %get3A_80 = arith.constant 0 : index
    %get3A_81 = vector.load %arg6[%get3A_79, %get3A_80] : memref<800x3xf32, #tpu.memory_space<vmem>>, vector<800x3xf32>
    %get3A_82 = arith.constant 0 : index
    %get3A_83 = arith.constant 0 : index
    %get3A_84 = vector.load %arg6[%get3A_82, %get3A_83] : memref<800x3xf32, #tpu.memory_space<vmem>>, vector<800x3xf32>
    %concatenate3A_85 = tpu.concatenate %get3A_78, %get3A_81, %get3A_84 in 1 : vector<800x3xf32>, vector<800x3xf32>, vector<800x3xf32> -> vector<800x9xf32>
    %get3A_86 = arith.constant 0 : index
    %get3A_87 = arith.constant 0 : index
    %get3A_88 = vector.load %arg7[%get3A_86, %get3A_87] : memref<800x3xf32, #tpu.memory_space<vmem>>, vector<800x3xf32>
    %get3A_89 = arith.constant 0 : index
    %get3A_90 = arith.constant 0 : index
    %get3A_91 = vector.load %arg7[%get3A_89, %get3A_90] : memref<800x3xf32, #tpu.memory_space<vmem>>, vector<800x3xf32>
    %get3A_92 = arith.constant 0 : index
    %get3A_93 = arith.constant 0 : index
    %get3A_94 = vector.load %arg7[%get3A_92, %get3A_93] : memref<800x3xf32, #tpu.memory_space<vmem>>, vector<800x3xf32>
    %concatenate3A_95 = tpu.concatenate %get3A_88, %get3A_91, %get3A_94 in 1 : vector<800x3xf32>, vector<800x3xf32>, vector<800x3xf32> -> vector<800x9xf32>
    %broadcast_in_dim3A_96 = arith.constant 0.000000e+00 : f32
    %broadcast_in_dim3A_97 = vector.broadcast %broadcast_in_dim3A_96 : f32 to vector<800x92xf32>
    %concatenate3A_98 = tpu.concatenate %concatenate3A_65, %concatenate3A_75, %concatenate3A_85, %concatenate3A_95, %broadcast_in_dim3A_97 in 1 : vector<800x9xf32>, vector<800x9xf32>, vector<800x9xf32>, vector<800x9xf32>, vector<800x92xf32> -> vector<800x128xf32>
    %swap3A_99 = arith.constant 0 : index
    %swap3A_100 = arith.constant 0 : index
    %swap3A_101 = vector.load %arg13[%swap3A_99, %swap3A_100] : memref<800x128xf32, #tpu.memory_space<vmem>>, vector<800x128xf32>
    tpu.vector_store %arg13[%swap3A_99, %swap3A_100], %concatenate3A_98 {strides = array<i32>} : memref<800x128xf32, #tpu.memory_space<vmem>>, vector<800x128xf32>,
    return
  }
  func.func @transform_0(%arg0: i32) -> (i32, i32) {
    %c0_i32 = arith.constant 0 : i32
    %c0_i32_0 = arith.constant 0 : i32
    return %arg0, %c0_i32 : i32, i32
  }
  func.func @transform_1(%arg0: i32) -> (i32, i32) {
    %c0_i32 = arith.constant 0 : i32
    %c0_i32_0 = arith.constant 0 : i32
    return %arg0, %c0_i32 : i32, i32
  }
  func.func @transform_2(%arg0: i32) -> (i32, i32) {
    %c0_i32 = arith.constant 0 : i32
    %c0_i32_0 = arith.constant 0 : i32
    return %arg0, %c0_i32 : i32, i32
  }
  func.func @transform_3(%arg0: i32) -> (i32, i32) {
    %c0_i32 = arith.constant 0 : i32
    %c0_i32_0 = arith.constant 0 : i32
    return %arg0, %c0_i32 : i32, i32
  }
  func.func @transform_4(%arg0: i32) -> (i32, i32) {
    %c0_i32 = arith.constant 0 : i32
    %c0_i32_0 = arith.constant 0 : i32
    return %arg0, %c0_i32 : i32, i32
  }
  func.func @transform_5(%arg0: i32) -> (i32, i32) {
    %c0_i32 = arith.constant 0 : i32
    %c0_i32_0 = arith.constant 0 : i32
    return %arg0, %c0_i32 : i32, i32
  }
  func.func @transform_6(%arg0: i32) -> (i32, i32) {
    %c0_i32 = arith.constant 0 : i32
    %c0_i32_0 = arith.constant 0 : i32
    return %arg0, %c0_i32 : i32, i32
  }
  func.func @transform_7(%arg0: i32) -> (i32, i32) {
    %c0_i32 = arith.constant 0 : i32
    %c0_i32_0 = arith.constant 0 : i32
    return %arg0, %c0_i32 : i32, i32
  }
  func.func @transform_8(%arg0: i32) -> (i32, i32) {
    %c0_i32 = arith.constant 0 : i32
    %c0_i32_0 = arith.constant 0 : i32
    return %arg0, %c0_i32 : i32, i32
  }
  func.func @transform_9(%arg0: i32) -> (i32, i32) {
    %c0_i32 = arith.constant 0 : i32
    %c0_i32_0 = arith.constant 0 : i32
    return %arg0, %c0_i32 : i32, i32
  }
  func.func @transform_10(%arg0: i32) -> (i32, i32) {
    %c0_i32 = arith.constant 0 : i32
    %c0_i32_0 = arith.constant 0 : i32
    return %arg0, %c0_i32 : i32, i32
  }
  func.func @transform_11(%arg0: i32) -> (i32, i32) {
    %c0_i32 = arith.constant 0 : i32
    %c0_i32_0 = arith.constant 0 : i32
    return %arg0, %c0_i32 : i32, i32
  }
  func.func @transform_12(%arg0: i32) -> (i32, i32) {
    %c0_i32 = arith.constant 0 : i32
    %c0_i32_0 = arith.constant 0 : i32
    return %arg0, %c0_i32 : i32, i32
  }
}

module attributes {stable_mosaic.version = 14 : i64} {
  func.func @_edge_body(%arg0: i32, %arg1: memref<800x128xf32, #tpu.memory_space<vmem>>, %arg2: memref<800x128xf32, #tpu.memory_space<vmem>>, %arg3: memref<800x128xf32, #tpu.memory_space<vmem>>, %arg4: memref<800x128xf32, #tpu.memory_space<vmem>>, %arg5: memref<800x1xf32, #tpu.memory_space<vmem>>, %arg6: memref<36x256xf32, #tpu.memory_space<vmem>>, %arg7: memref<1x256xf32, #tpu.memory_space<vmem>>, %arg8: memref<128x128xf32, #tpu.memory_space<vmem>>, %arg9: memref<1x128xf32, #tpu.memory_space<vmem>>, %arg10: memref<128x128xf32, #tpu.memory_space<vmem>>, %arg11: memref<1x128xf32, #tpu.memory_space<vmem>>, %arg12: memref<1x128xf32, #tpu.memory_space<vmem>>, %arg13: memref<1x128xf32, #tpu.memory_space<vmem>>, %arg14: memref<2x128xf32, #tpu.memory_space<vmem>>, %arg15: memref<1x128xf32, #tpu.memory_space<vmem>>, %arg16: memref<128x128xf32, #tpu.memory_space<vmem>>, %arg17: memref<1x128xf32, #tpu.memory_space<vmem>>, %arg18: memref<128x128xf32, #tpu.memory_space<vmem>>, %arg19: memref<1x128xf32, #tpu.memory_space<vmem>>, %arg20: memref<1x128xf32, #tpu.memory_space<vmem>>, %arg21: memref<1x128xf32, #tpu.memory_space<vmem>>, %arg22: memref<384x128xf32, #tpu.memory_space<vmem>>, %arg23: memref<1x128xf32, #tpu.memory_space<vmem>>, %arg24: memref<128x128xf32, #tpu.memory_space<vmem>>, %arg25: memref<1x128xf32, #tpu.memory_space<vmem>>, %arg26: memref<128x128xf32, #tpu.memory_space<vmem>>, %arg27: memref<1x128xf32, #tpu.memory_space<vmem>>, %arg28: memref<1x128xf32, #tpu.memory_space<vmem>>, %arg29: memref<1x128xf32, #tpu.memory_space<vmem>>, %arg30: memref<1x128xf32, #tpu.memory_space<vmem>>, %arg31: memref<1x128xf32, #tpu.memory_space<vmem>>, %arg32: memref<128x512xf32, #tpu.memory_space<vmem>>, %arg33: memref<1x512xf32, #tpu.memory_space<vmem>>, %arg34: memref<128x128xf32, #tpu.memory_space<vmem>>, %arg35: memref<1x128xf32, #tpu.memory_space<vmem>>, %arg36: memref<128x128xf32, #tpu.memory_space<vmem>>, %arg37: memref<1x128xf32, #tpu.memory_space<vmem>>, %arg38: memref<128x128xf32, #tpu.memory_space<vmem>>, %arg39: memref<1x128xf32, #tpu.memory_space<vmem>>, %arg40: memref<128x128xf32, #tpu.memory_space<vmem>>, %arg41: memref<1x128xf32, #tpu.memory_space<vmem>>, %arg42: memref<512x48xf32, #tpu.memory_space<vmem>>, %arg43: memref<1x48xf32, #tpu.memory_space<vmem>>, %arg44: memref<800x128xf32, #tpu.memory_space<vmem>>, %arg45: memref<800x3xf32, #tpu.memory_space<vmem>>, %arg46: memref<800x16xf32, #tpu.memory_space<vmem>>) attributes {dimension_semantics = [#tpu.dimension_semantics<arbitrary>], iteration_bounds = array<i64: 400>, scalar_prefetch = 0 : i64, scratch_operands = 0 : i64, tpu.core_type = #tpu.core_type<tc>, window_params = [{transform_indices = @transform_0, window_bounds = array<i64: 800, 128>}, {transform_indices = @transform_1, window_bounds = array<i64: 800, 128>}, {transform_indices = @transform_2, window_bounds = array<i64: 800, 128>}, {transform_indices = @transform_3, window_bounds = array<i64: 800, 128>}, {transform_indices = @transform_4, window_bounds = array<i64: 800, 1>}, {pipeline_mode = #tpu.pipeline_mode<synchronous>, transform_indices = @transform_5, window_bounds = array<i64: 36, 256>}, {pipeline_mode = #tpu.pipeline_mode<synchronous>, transform_indices = @transform_6, window_bounds = array<i64: 1, 256>}, {pipeline_mode = #tpu.pipeline_mode<synchronous>, transform_indices = @transform_7, window_bounds = array<i64: 128, 128>}, {pipeline_mode = #tpu.pipeline_mode<synchronous>, transform_indices = @transform_8, window_bounds = array<i64: 1, 128>}, {pipeline_mode = #tpu.pipeline_mode<synchronous>, transform_indices = @transform_9, window_bounds = array<i64: 128, 128>}, {pipeline_mode = #tpu.pipeline_mode<synchronous>, transform_indices = @transform_10, window_bounds = array<i64: 1, 128>}, {pipeline_mode = #tpu.pipeline_mode<synchronous>, transform_indices = @transform_11, window_bounds = array<i64: 1, 128>}, {pipeline_mode = #tpu.pipeline_mode<synchronous>, transform_indices = @transform_12, window_bounds = array<i64: 1, 128>}, {pipeline_mode = #tpu.pipeline_mode<synchronous>, transform_indices = @transform_13, window_bounds = array<i64: 2, 128>}, {pipeline_mode = #tpu.pipeline_mode<synchronous>, transform_indices = @transform_14, window_bounds = array<i64: 1, 128>}, {pipeline_mode = #tpu.pipeline_mode<synchronous>, transform_indices = @transform_15, window_bounds = array<i64: 128, 128>}, {pipeline_mode = #tpu.pipeline_mode<synchronous>, transform_indices = @transform_16, window_bounds = array<i64: 1, 128>}, {pipeline_mode = #tpu.pipeline_mode<synchronous>, transform_indices = @transform_17, window_bounds = array<i64: 128, 128>}, {pipeline_mode = #tpu.pipeline_mode<synchronous>, transform_indices = @transform_18, window_bounds = array<i64: 1, 128>}, {pipeline_mode = #tpu.pipeline_mode<synchronous>, transform_indices = @transform_19, window_bounds = array<i64: 1, 128>}, {pipeline_mode = #tpu.pipeline_mode<synchronous>, transform_indices = @transform_20, window_bounds = array<i64: 1, 128>}, {pipeline_mode = #tpu.pipeline_mode<synchronous>, transform_indices = @transform_21, window_bounds = array<i64: 384, 128>}, {pipeline_mode = #tpu.pipeline_mode<synchronous>, transform_indices = @transform_22, window_bounds = array<i64: 1, 128>}, {pipeline_mode = #tpu.pipeline_mode<synchronous>, transform_indices = @transform_23, window_bounds = array<i64: 128, 128>}, {pipeline_mode = #tpu.pipeline_mode<synchronous>, transform_indices = @transform_24, window_bounds = array<i64: 1, 128>}, {pipeline_mode = #tpu.pipeline_mode<synchronous>, transform_indices = @transform_25, window_bounds = array<i64: 128, 128>}, {pipeline_mode = #tpu.pipeline_mode<synchronous>, transform_indices = @transform_26, window_bounds = array<i64: 1, 128>}, {pipeline_mode = #tpu.pipeline_mode<synchronous>, transform_indices = @transform_27, window_bounds = array<i64: 1, 128>}, {pipeline_mode = #tpu.pipeline_mode<synchronous>, transform_indices = @transform_28, window_bounds = array<i64: 1, 128>}, {pipeline_mode = #tpu.pipeline_mode<synchronous>, transform_indices = @transform_29, window_bounds = array<i64: 1, 128>}, {pipeline_mode = #tpu.pipeline_mode<synchronous>, transform_indices = @transform_30, window_bounds = array<i64: 1, 128>}, {pipeline_mode = #tpu.pipeline_mode<synchronous>, transform_indices = @transform_31, window_bounds = array<i64: 128, 512>}, {pipeline_mode = #tpu.pipeline_mode<synchronous>, transform_indices = @transform_32, window_bounds = array<i64: 1, 512>}, {pipeline_mode = #tpu.pipeline_mode<synchronous>, transform_indices = @transform_33, window_bounds = array<i64: 128, 128>}, {pipeline_mode = #tpu.pipeline_mode<synchronous>, transform_indices = @transform_34, window_bounds = array<i64: 1, 128>}, {pipeline_mode = #tpu.pipeline_mode<synchronous>, transform_indices = @transform_35, window_bounds = array<i64: 128, 128>}, {pipeline_mode = #tpu.pipeline_mode<synchronous>, transform_indices = @transform_36, window_bounds = array<i64: 1, 128>}, {pipeline_mode = #tpu.pipeline_mode<synchronous>, transform_indices = @transform_37, window_bounds = array<i64: 128, 128>}, {pipeline_mode = #tpu.pipeline_mode<synchronous>, transform_indices = @transform_38, window_bounds = array<i64: 1, 128>}, {pipeline_mode = #tpu.pipeline_mode<synchronous>, transform_indices = @transform_39, window_bounds = array<i64: 128, 128>}, {pipeline_mode = #tpu.pipeline_mode<synchronous>, transform_indices = @transform_40, window_bounds = array<i64: 1, 128>}, {pipeline_mode = #tpu.pipeline_mode<synchronous>, transform_indices = @transform_41, window_bounds = array<i64: 512, 48>}, {pipeline_mode = #tpu.pipeline_mode<synchronous>, transform_indices = @transform_42, window_bounds = array<i64: 1, 48>}, {transform_indices = @transform_43, window_bounds = array<i64: 800, 128>}, {transform_indices = @transform_44, window_bounds = array<i64: 800, 3>}, {transform_indices = @transform_45, window_bounds = array<i64: 800, 16>}]} {
    %get3A = arith.constant 0 : index
    %get3A_0 = arith.constant 0 : index
    %get3A_1 = vector.load %arg6[%get3A, %get3A_0] : memref<36x256xf32, #tpu.memory_space<vmem>>, vector<36x256xf32>
    %get3A_2 = arith.constant 0 : index
    %get3A_3 = arith.constant 0 : index
    %get3A_4 = vector.load %arg7[%get3A_2, %get3A_3] : memref<1x256xf32, #tpu.memory_space<vmem>>, vector<1x256xf32>
    %get3A_5 = arith.constant 0 : index
    %get3A_6 = arith.constant 0 : index
    %get3A_7 = vector.load %arg8[%get3A_5, %get3A_6] : memref<128x128xf32, #tpu.memory_space<vmem>>, vector<128x128xf32>
    %get3A_8 = arith.constant 0 : index
    %get3A_9 = arith.constant 0 : index
    %get3A_10 = vector.load %arg9[%get3A_8, %get3A_9] : memref<1x128xf32, #tpu.memory_space<vmem>>, vector<1x128xf32>
    %get3A_11 = arith.constant 0 : index
    %get3A_12 = arith.constant 0 : index
    %get3A_13 = vector.load %arg10[%get3A_11, %get3A_12] : memref<128x128xf32, #tpu.memory_space<vmem>>, vector<128x128xf32>
    %get3A_14 = arith.constant 0 : index
    %get3A_15 = arith.constant 0 : index
    %get3A_16 = vector.load %arg11[%get3A_14, %get3A_15] : memref<1x128xf32, #tpu.memory_space<vmem>>, vector<1x128xf32>
    %get3A_17 = arith.constant 0 : index
    %get3A_18 = arith.constant 0 : index
    %get3A_19 = vector.load %arg12[%get3A_17, %get3A_18] : memref<1x128xf32, #tpu.memory_space<vmem>>, vector<1x128xf32>
    %get3A_20 = arith.constant 0 : index
    %get3A_21 = arith.constant 0 : index
    %get3A_22 = vector.load %arg13[%get3A_20, %get3A_21] : memref<1x128xf32, #tpu.memory_space<vmem>>, vector<1x128xf32>
    %get3A_23 = arith.constant 0 : index
    %get3A_24 = arith.constant 0 : index
    %get3A_25 = vector.load %arg14[%get3A_23, %get3A_24] : memref<2x128xf32, #tpu.memory_space<vmem>>, vector<2x128xf32>
    %get3A_26 = arith.constant 0 : index
    %get3A_27 = arith.constant 0 : index
    %get3A_28 = vector.load %arg15[%get3A_26, %get3A_27] : memref<1x128xf32, #tpu.memory_space<vmem>>, vector<1x128xf32>
    %get3A_29 = arith.constant 0 : index
    %get3A_30 = arith.constant 0 : index
    %get3A_31 = vector.load %arg16[%get3A_29, %get3A_30] : memref<128x128xf32, #tpu.memory_space<vmem>>, vector<128x128xf32>
    %get3A_32 = arith.constant 0 : index
    %get3A_33 = arith.constant 0 : index
    %get3A_34 = vector.load %arg17[%get3A_32, %get3A_33] : memref<1x128xf32, #tpu.memory_space<vmem>>, vector<1x128xf32>
    %get3A_35 = arith.constant 0 : index
    %get3A_36 = arith.constant 0 : index
    %get3A_37 = vector.load %arg18[%get3A_35, %get3A_36] : memref<128x128xf32, #tpu.memory_space<vmem>>, vector<128x128xf32>
    %get3A_38 = arith.constant 0 : index
    %get3A_39 = arith.constant 0 : index
    %get3A_40 = vector.load %arg19[%get3A_38, %get3A_39] : memref<1x128xf32, #tpu.memory_space<vmem>>, vector<1x128xf32>
    %get3A_41 = arith.constant 0 : index
    %get3A_42 = arith.constant 0 : index
    %get3A_43 = vector.load %arg20[%get3A_41, %get3A_42] : memref<1x128xf32, #tpu.memory_space<vmem>>, vector<1x128xf32>
    %get3A_44 = arith.constant 0 : index
    %get3A_45 = arith.constant 0 : index
    %get3A_46 = vector.load %arg21[%get3A_44, %get3A_45] : memref<1x128xf32, #tpu.memory_space<vmem>>, vector<1x128xf32>
    %get3A_47 = arith.constant 0 : index
    %get3A_48 = arith.constant 0 : index
    %get3A_49 = vector.load %arg22[%get3A_47, %get3A_48] : memref<384x128xf32, #tpu.memory_space<vmem>>, vector<384x128xf32>
    %get3A_50 = arith.constant 0 : index
    %get3A_51 = arith.constant 0 : index
    %get3A_52 = vector.load %arg23[%get3A_50, %get3A_51] : memref<1x128xf32, #tpu.memory_space<vmem>>, vector<1x128xf32>
    %get3A_53 = arith.constant 0 : index
    %get3A_54 = arith.constant 0 : index
    %get3A_55 = vector.load %arg24[%get3A_53, %get3A_54] : memref<128x128xf32, #tpu.memory_space<vmem>>, vector<128x128xf32>
    %get3A_56 = arith.constant 0 : index
    %get3A_57 = arith.constant 0 : index
    %get3A_58 = vector.load %arg25[%get3A_56, %get3A_57] : memref<1x128xf32, #tpu.memory_space<vmem>>, vector<1x128xf32>
    %get3A_59 = arith.constant 0 : index
    %get3A_60 = arith.constant 0 : index
    %get3A_61 = vector.load %arg26[%get3A_59, %get3A_60] : memref<128x128xf32, #tpu.memory_space<vmem>>, vector<128x128xf32>
    %get3A_62 = arith.constant 0 : index
    %get3A_63 = arith.constant 0 : index
    %get3A_64 = vector.load %arg27[%get3A_62, %get3A_63] : memref<1x128xf32, #tpu.memory_space<vmem>>, vector<1x128xf32>
    %get3A_65 = arith.constant 0 : index
    %get3A_66 = arith.constant 0 : index
    %get3A_67 = vector.load %arg28[%get3A_65, %get3A_66] : memref<1x128xf32, #tpu.memory_space<vmem>>, vector<1x128xf32>
    %get3A_68 = arith.constant 0 : index
    %get3A_69 = arith.constant 0 : index
    %get3A_70 = vector.load %arg29[%get3A_68, %get3A_69] : memref<1x128xf32, #tpu.memory_space<vmem>>, vector<1x128xf32>
    %get3A_71 = arith.constant 0 : index
    %get3A_72 = arith.constant 0 : index
    %get3A_73 = vector.load %arg30[%get3A_71, %get3A_72] : memref<1x128xf32, #tpu.memory_space<vmem>>, vector<1x128xf32>
    %get3A_74 = arith.constant 0 : index
    %get3A_75 = arith.constant 0 : index
    %get3A_76 = vector.load %arg31[%get3A_74, %get3A_75] : memref<1x128xf32, #tpu.memory_space<vmem>>, vector<1x128xf32>
    %get3A_77 = arith.constant 0 : index
    %get3A_78 = arith.constant 0 : index
    %get3A_79 = vector.load %arg32[%get3A_77, %get3A_78] : memref<128x512xf32, #tpu.memory_space<vmem>>, vector<128x512xf32>
    %get3A_80 = arith.constant 0 : index
    %get3A_81 = arith.constant 0 : index
    %get3A_82 = vector.load %arg33[%get3A_80, %get3A_81] : memref<1x512xf32, #tpu.memory_space<vmem>>, vector<1x512xf32>
    %get3A_83 = arith.constant 0 : index
    %get3A_84 = arith.constant 0 : index
    %get3A_85 = vector.load %arg34[%get3A_83, %get3A_84] : memref<128x128xf32, #tpu.memory_space<vmem>>, vector<128x128xf32>
    %get3A_86 = arith.constant 0 : index
    %get3A_87 = arith.constant 0 : index
    %get3A_88 = vector.load %arg35[%get3A_86, %get3A_87] : memref<1x128xf32, #tpu.memory_space<vmem>>, vector<1x128xf32>
    %get3A_89 = arith.constant 0 : index
    %get3A_90 = arith.constant 0 : index
    %get3A_91 = vector.load %arg36[%get3A_89, %get3A_90] : memref<128x128xf32, #tpu.memory_space<vmem>>, vector<128x128xf32>
    %get3A_92 = arith.constant 0 : index
    %get3A_93 = arith.constant 0 : index
    %get3A_94 = vector.load %arg37[%get3A_92, %get3A_93] : memref<1x128xf32, #tpu.memory_space<vmem>>, vector<1x128xf32>
    %get3A_95 = arith.constant 0 : index
    %get3A_96 = arith.constant 0 : index
    %get3A_97 = vector.load %arg38[%get3A_95, %get3A_96] : memref<128x128xf32, #tpu.memory_space<vmem>>, vector<128x128xf32>
    %get3A_98 = arith.constant 0 : index
    %get3A_99 = arith.constant 0 : index
    %get3A_100 = vector.load %arg39[%get3A_98, %get3A_99] : memref<1x128xf32, #tpu.memory_space<vmem>>, vector<1x128xf32>
    %get3A_101 = arith.constant 0 : index
    %get3A_102 = arith.constant 0 : index
    %get3A_103 = vector.load %arg40[%get3A_101, %get3A_102] : memref<128x128xf32, #tpu.memory_space<vmem>>, vector<128x128xf32>
    %get3A_104 = arith.constant 0 : index
    %get3A_105 = arith.constant 0 : index
    %get3A_106 = vector.load %arg41[%get3A_104, %get3A_105] : memref<1x128xf32, #tpu.memory_space<vmem>>, vector<1x128xf32>
    %get3A_107 = arith.constant 0 : index
    %get3A_108 = arith.constant 0 : index
    %get3A_109 = vector.load %arg42[%get3A_107, %get3A_108] : memref<512x48xf32, #tpu.memory_space<vmem>>, vector<512x48xf32>
    %get3A_110 = arith.constant 0 : index
    %get3A_111 = arith.constant 0 : index
    %get3A_112 = vector.load %arg43[%get3A_110, %get3A_111] : memref<1x48xf32, #tpu.memory_space<vmem>>, vector<1x48xf32>
    %get3A_113 = arith.constant 0 : index
    %get3A_114 = arith.constant 0 : index
    %get3A_115 = vector.load %arg1[%get3A_113, %get3A_114] : memref<800x128xf32, #tpu.memory_space<vmem>>, vector<800x128xf32>
    %slice3A = vector.extract_strided_slice %get3A_115 {offsets = [0, 0], sizes = [800, 36], strides = [1, 1]} : vector<800x128xf32> to vector<800x36xf32>
    %get3A_116 = arith.constant 0 : index
    %get3A_117 = arith.constant 0 : index
    %get3A_118 = vector.load %arg2[%get3A_116, %get3A_117] : memref<800x128xf32, #tpu.memory_space<vmem>>, vector<800x128xf32>
    %slice3A_119 = vector.extract_strided_slice %get3A_118 {offsets = [0, 0], sizes = [800, 36], strides = [1, 1]} : vector<800x128xf32> to vector<800x36xf32>
    %mul3A = arith.mulf %slice3A, %slice3A_119 : vector<800x36xf32>
    %dot_general3A = arith.constant dense<0.000000e+00> : vector<800x256xf32>
    %dot_general3A_120 = tpu.matmul %mul3A, %get3A_1, %dot_general3A {dimension_numbers = #tpu.dot_dimension_numbers<[1], [0], [0], [1], [0, 0, 1, 1], [], []>, transpose_lhs_hint = false} : vector<800x36xf32>, vector<36x256xf32>, vector<800x256xf32> -> vector<800x256xf32>
    %add3A = vector.broadcast %get3A_4 : vector<1x256xf32> to vector<800x256xf32>
    %add3A_121 = arith.addf %dot_general3A_120, %add3A : vector<800x256xf32>
    %max3A = arith.constant 0.000000e+00 : f32
    %max3A_122 = vector.broadcast %max3A : f32 to vector<800x256xf32>
    %max3A_123 = arith.maximumf %add3A_121, %max3A_122 : vector<800x256xf32>
    %slice3A_124 = vector.extract_strided_slice %max3A_123 {offsets = [0, 0], sizes = [800, 128], strides = [1, 1]} : vector<800x256xf32> to vector<800x128xf32>
    %slice3A_125 = vector.extract_strided_slice %max3A_123 {offsets = [0, 128], sizes = [800, 128], strides = [1, 1]} : vector<800x256xf32> to vector<800x128xf32>
    %concatenate3A = tpu.concatenate %slice3A_124, %slice3A_125 in 0 : vector<800x128xf32>, vector<800x128xf32> -> vector<1600x128xf32>
    %dot_general3A_126 = arith.constant dense<0.000000e+00> : vector<1600x128xf32>
    %dot_general3A_127 = tpu.matmul %concatenate3A, %get3A_7, %dot_general3A_126 {dimension_numbers = #tpu.dot_dimension_numbers<[1], [0], [0], [1], [0, 0, 1, 1], [], []>, transpose_lhs_hint = false} : vector<1600x128xf32>, vector<128x128xf32>, vector<1600x128xf32> -> vector<1600x128xf32>
    %add3A_128 = vector.broadcast %get3A_10 : vector<1x128xf32> to vector<1600x128xf32>
    %add3A_129 = arith.addf %dot_general3A_127, %add3A_128 : vector<1600x128xf32>
    %max3A_130 = arith.constant 0.000000e+00 : f32
    %max3A_131 = vector.broadcast %max3A_130 : f32 to vector<1600x128xf32>
    %max3A_132 = arith.maximumf %add3A_129, %max3A_131 : vector<1600x128xf32>
    %dot_general3A_133 = arith.constant dense<0.000000e+00> : vector<1600x128xf32>
    %dot_general3A_134 = tpu.matmul %max3A_132, %get3A_13, %dot_general3A_133 {dimension_numbers = #tpu.dot_dimension_numbers<[1], [0], [0], [1], [0, 0, 1, 1], [], []>, transpose_lhs_hint = false} : vector<1600x128xf32>, vector<128x128xf32>, vector<1600x128xf32> -> vector<1600x128xf32>
    %add3A_135 = vector.broadcast %get3A_16 : vector<1x128xf32> to vector<1600x128xf32>
    %add3A_136 = arith.addf %dot_general3A_134, %add3A_135 : vector<1600x128xf32>
    %reduce_sum3A = arith.constant dense<0.000000e+00> : vector<1600xf32>
    %reduce_sum3A_137 = vector.multi_reduction <add>, %add3A_136, %reduce_sum3A [1] : vector<1600x128xf32> to vector<1600xf32>
    %broadcast_in_dim3A = vector.shape_cast %reduce_sum3A_137 : vector<1600xf32> to vector<1600x1xf32>
    %div3A = arith.constant 1.280000e+02 : f32
    %div3A_138 = vector.broadcast %div3A : f32 to vector<1600x1xf32>
    %div3A_139 = arith.divf %broadcast_in_dim3A, %div3A_138 : vector<1600x1xf32>
    %sub3A = vector.broadcast %div3A_139 : vector<1600x1xf32> to vector<1600x128xf32>
    %sub3A_140 = arith.subf %add3A_136, %sub3A : vector<1600x128xf32>
    %mul3A_141 = arith.mulf %sub3A_140, %sub3A_140 : vector<1600x128xf32>
    %reduce_sum3A_142 = arith.constant dense<0.000000e+00> : vector<1600xf32>
    %reduce_sum3A_143 = vector.multi_reduction <add>, %mul3A_141, %reduce_sum3A_142 [1] : vector<1600x128xf32> to vector<1600xf32>
    %broadcast_in_dim3A_144 = vector.shape_cast %reduce_sum3A_143 : vector<1600xf32> to vector<1600x1xf32>
    %div3A_145 = arith.constant 1.280000e+02 : f32
    %div3A_146 = vector.broadcast %div3A_145 : f32 to vector<1600x1xf32>
    %div3A_147 = arith.divf %broadcast_in_dim3A_144, %div3A_146 : vector<1600x1xf32>
    %add3A_148 = arith.constant 9.99999974E-6 : f32
    %add3A_149 = vector.broadcast %add3A_148 : f32 to vector<1600x1xf32>
    %add3A_150 = arith.addf %div3A_147, %add3A_149 : vector<1600x1xf32>
    %rsqrt3A = math.rsqrt %add3A_150 : vector<1600x1xf32>
    %mul3A_151 = vector.broadcast %rsqrt3A : vector<1600x1xf32> to vector<1600x128xf32>
    %mul3A_152 = arith.mulf %sub3A_140, %mul3A_151 : vector<1600x128xf32>
    %mul3A_153 = vector.broadcast %get3A_19 : vector<1x128xf32> to vector<1600x128xf32>
    %mul3A_154 = arith.mulf %mul3A_152, %mul3A_153 : vector<1600x128xf32>
    %add3A_155 = vector.broadcast %get3A_22 : vector<1x128xf32> to vector<1600x128xf32>
    %add3A_156 = arith.addf %mul3A_154, %add3A_155 : vector<1600x128xf32>
    %slice3A_157 = vector.extract_strided_slice %add3A_156 {offsets = [0, 0], sizes = [800, 128], strides = [1, 1]} : vector<1600x128xf32> to vector<800x128xf32>
    %slice3A_158 = vector.extract_strided_slice %add3A_156 {offsets = [800, 0], sizes = [800, 128], strides = [1, 1]} : vector<1600x128xf32> to vector<800x128xf32>
    %add3A_159 = arith.addf %slice3A_157, %slice3A_158 : vector<800x128xf32>
    %slice3A_160 = vector.extract_strided_slice %get3A_115 {offsets = [0, 93], sizes = [800, 3], strides = [1, 1]} : vector<800x128xf32> to vector<800x3xf32>
    %mul3A_161 = arith.mulf %slice3A_160, %slice3A_160 : vector<800x3xf32>
    %reduce_sum3A_162 = arith.constant dense<0.000000e+00> : vector<800xf32>
    %reduce_sum3A_163 = vector.multi_reduction <add>, %mul3A_161, %reduce_sum3A_162 [1] : vector<800x3xf32> to vector<800xf32>
    %broadcast_in_dim3A_164 = vector.shape_cast %reduce_sum3A_163 : vector<800xf32> to vector<800x1xf32>
    %sqrt3A = math.sqrt %broadcast_in_dim3A_164 : vector<800x1xf32>
    %slice3A_165 = vector.extract_strided_slice %get3A_115 {offsets = [0, 96], sizes = [800, 1], strides = [1, 1]} : vector<800x128xf32> to vector<800x1xf32>
    %concatenate3A_166 = tpu.concatenate %sqrt3A, %slice3A_165 in 1 : vector<800x1xf32>, vector<800x1xf32> -> vector<800x2xf32>
    %dot_general3A_167 = arith.constant dense<0.000000e+00> : vector<800x128xf32>
    %dot_general3A_168 = tpu.matmul %concatenate3A_166, %get3A_25, %dot_general3A_167 {dimension_numbers = #tpu.dot_dimension_numbers<[1], [0], [0], [1], [0, 0, 1, 1], [], []>, transpose_lhs_hint = false} : vector<800x2xf32>, vector<2x128xf32>, vector<800x128xf32> -> vector<800x128xf32>
    %add3A_169 = vector.broadcast %get3A_28 : vector<1x128xf32> to vector<800x128xf32>
    %add3A_170 = arith.addf %dot_general3A_168, %add3A_169 : vector<800x128xf32>
    %max3A_171 = arith.constant 0.000000e+00 : f32
    %max3A_172 = vector.broadcast %max3A_171 : f32 to vector<800x128xf32>
    %max3A_173 = arith.maximumf %add3A_170, %max3A_172 : vector<800x128xf32>
    %dot_general3A_174 = arith.constant dense<0.000000e+00> : vector<800x128xf32>
    %dot_general3A_175 = tpu.matmul %max3A_173, %get3A_31, %dot_general3A_174 {dimension_numbers = #tpu.dot_dimension_numbers<[1], [0], [0], [1], [0, 0, 1, 1], [], []>, transpose_lhs_hint = false} : vector<800x128xf32>, vector<128x128xf32>, vector<800x128xf32> -> vector<800x128xf32>
    %add3A_176 = vector.broadcast %get3A_34 : vector<1x128xf32> to vector<800x128xf32>
    %add3A_177 = arith.addf %dot_general3A_175, %add3A_176 : vector<800x128xf32>
    %max3A_178 = arith.constant 0.000000e+00 : f32
    %max3A_179 = vector.broadcast %max3A_178 : f32 to vector<800x128xf32>
    %max3A_180 = arith.maximumf %add3A_177, %max3A_179 : vector<800x128xf32>
    %dot_general3A_181 = arith.constant dense<0.000000e+00> : vector<800x128xf32>
    %dot_general3A_182 = tpu.matmul %max3A_180, %get3A_37, %dot_general3A_181 {dimension_numbers = #tpu.dot_dimension_numbers<[1], [0], [0], [1], [0, 0, 1, 1], [], []>, transpose_lhs_hint = false} : vector<800x128xf32>, vector<128x128xf32>, vector<800x128xf32> -> vector<800x128xf32>
    %add3A_183 = vector.broadcast %get3A_40 : vector<1x128xf32> to vector<800x128xf32>
    %add3A_184 = arith.addf %dot_general3A_182, %add3A_183 : vector<800x128xf32>
    %reduce_sum3A_185 = arith.constant dense<0.000000e+00> : vector<800xf32>
    %reduce_sum3A_186 = vector.multi_reduction <add>, %add3A_184, %reduce_sum3A_185 [1] : vector<800x128xf32> to vector<800xf32>
    %broadcast_in_dim3A_187 = vector.shape_cast %reduce_sum3A_186 : vector<800xf32> to vector<800x1xf32>
    %div3A_188 = arith.constant 1.280000e+02 : f32
    %div3A_189 = vector.broadcast %div3A_188 : f32 to vector<800x1xf32>
    %div3A_190 = arith.divf %broadcast_in_dim3A_187, %div3A_189 : vector<800x1xf32>
    %sub3A_191 = vector.broadcast %div3A_190 : vector<800x1xf32> to vector<800x128xf32>
    %sub3A_192 = arith.subf %add3A_184, %sub3A_191 : vector<800x128xf32>
    %mul3A_193 = arith.mulf %sub3A_192, %sub3A_192 : vector<800x128xf32>
    %reduce_sum3A_194 = arith.constant dense<0.000000e+00> : vector<800xf32>
    %reduce_sum3A_195 = vector.multi_reduction <add>, %mul3A_193, %reduce_sum3A_194 [1] : vector<800x128xf32> to vector<800xf32>
    %broadcast_in_dim3A_196 = vector.shape_cast %reduce_sum3A_195 : vector<800xf32> to vector<800x1xf32>
    %div3A_197 = arith.constant 1.280000e+02 : f32
    %div3A_198 = vector.broadcast %div3A_197 : f32 to vector<800x1xf32>
    %div3A_199 = arith.divf %broadcast_in_dim3A_196, %div3A_198 : vector<800x1xf32>
    %add3A_200 = arith.constant 9.99999974E-6 : f32
    %add3A_201 = vector.broadcast %add3A_200 : f32 to vector<800x1xf32>
    %add3A_202 = arith.addf %div3A_199, %add3A_201 : vector<800x1xf32>
    %rsqrt3A_203 = math.rsqrt %add3A_202 : vector<800x1xf32>
    %mul3A_204 = vector.broadcast %rsqrt3A_203 : vector<800x1xf32> to vector<800x128xf32>
    %mul3A_205 = arith.mulf %sub3A_192, %mul3A_204 : vector<800x128xf32>
    %mul3A_206 = vector.broadcast %get3A_43 : vector<1x128xf32> to vector<800x128xf32>
    %mul3A_207 = arith.mulf %mul3A_205, %mul3A_206 : vector<800x128xf32>
    %add3A_208 = vector.broadcast %get3A_46 : vector<1x128xf32> to vector<800x128xf32>
    %add3A_209 = arith.addf %mul3A_207, %add3A_208 : vector<800x128xf32>
    %get3A_210 = arith.constant 0 : index
    %get3A_211 = arith.constant 0 : index
    %get3A_212 = vector.load %arg3[%get3A_210, %get3A_211] : memref<800x128xf32, #tpu.memory_space<vmem>>, vector<800x128xf32>
    %get3A_213 = arith.constant 0 : index
    %get3A_214 = arith.constant 0 : index
    %get3A_215 = vector.load %arg4[%get3A_213, %get3A_214] : memref<800x128xf32, #tpu.memory_space<vmem>>, vector<800x128xf32>
    %add3A_216 = arith.addf %get3A_212, %get3A_215 : vector<800x128xf32>
    %concatenate3A_217 = tpu.concatenate %add3A_159, %add3A_216, %add3A_209 in 1 : vector<800x128xf32>, vector<800x128xf32>, vector<800x128xf32> -> vector<800x384xf32>
    %dot_general3A_218 = arith.constant dense<0.000000e+00> : vector<800x128xf32>
    %dot_general3A_219 = tpu.matmul %concatenate3A_217, %get3A_49, %dot_general3A_218 {dimension_numbers = #tpu.dot_dimension_numbers<[1], [0], [0], [1], [0, 0, 1, 1], [], []>, transpose_lhs_hint = false} : vector<800x384xf32>, vector<384x128xf32>, vector<800x128xf32> -> vector<800x128xf32>
    %add3A_220 = vector.broadcast %get3A_52 : vector<1x128xf32> to vector<800x128xf32>
    %add3A_221 = arith.addf %dot_general3A_219, %add3A_220 : vector<800x128xf32>
    %max3A_222 = arith.constant 0.000000e+00 : f32
    %max3A_223 = vector.broadcast %max3A_222 : f32 to vector<800x128xf32>
    %max3A_224 = arith.maximumf %add3A_221, %max3A_223 : vector<800x128xf32>
    %dot_general3A_225 = arith.constant dense<0.000000e+00> : vector<800x128xf32>
    %dot_general3A_226 = tpu.matmul %max3A_224, %get3A_55, %dot_general3A_225 {dimension_numbers = #tpu.dot_dimension_numbers<[1], [0], [0], [1], [0, 0, 1, 1], [], []>, transpose_lhs_hint = false} : vector<800x128xf32>, vector<128x128xf32>, vector<800x128xf32> -> vector<800x128xf32>
    %add3A_227 = vector.broadcast %get3A_58 : vector<1x128xf32> to vector<800x128xf32>
    %add3A_228 = arith.addf %dot_general3A_226, %add3A_227 : vector<800x128xf32>
    %max3A_229 = arith.constant 0.000000e+00 : f32
    %max3A_230 = vector.broadcast %max3A_229 : f32 to vector<800x128xf32>
    %max3A_231 = arith.maximumf %add3A_228, %max3A_230 : vector<800x128xf32>
    %dot_general3A_232 = arith.constant dense<0.000000e+00> : vector<800x128xf32>
    %dot_general3A_233 = tpu.matmul %max3A_231, %get3A_61, %dot_general3A_232 {dimension_numbers = #tpu.dot_dimension_numbers<[1], [0], [0], [1], [0, 0, 1, 1], [], []>, transpose_lhs_hint = false} : vector<800x128xf32>, vector<128x128xf32>, vector<800x128xf32> -> vector<800x128xf32>
    %add3A_234 = vector.broadcast %get3A_64 : vector<1x128xf32> to vector<800x128xf32>
    %add3A_235 = arith.addf %dot_general3A_233, %add3A_234 : vector<800x128xf32>
    %reduce_sum3A_236 = arith.constant dense<0.000000e+00> : vector<800xf32>
    %reduce_sum3A_237 = vector.multi_reduction <add>, %add3A_235, %reduce_sum3A_236 [1] : vector<800x128xf32> to vector<800xf32>
    %broadcast_in_dim3A_238 = vector.shape_cast %reduce_sum3A_237 : vector<800xf32> to vector<800x1xf32>
    %div3A_239 = arith.constant 1.280000e+02 : f32
    %div3A_240 = vector.broadcast %div3A_239 : f32 to vector<800x1xf32>
    %div3A_241 = arith.divf %broadcast_in_dim3A_238, %div3A_240 : vector<800x1xf32>
    %sub3A_242 = vector.broadcast %div3A_241 : vector<800x1xf32> to vector<800x128xf32>
    %sub3A_243 = arith.subf %add3A_235, %sub3A_242 : vector<800x128xf32>
    %mul3A_244 = arith.mulf %sub3A_243, %sub3A_243 : vector<800x128xf32>
    %reduce_sum3A_245 = arith.constant dense<0.000000e+00> : vector<800xf32>
    %reduce_sum3A_246 = vector.multi_reduction <add>, %mul3A_244, %reduce_sum3A_245 [1] : vector<800x128xf32> to vector<800xf32>
    %broadcast_in_dim3A_247 = vector.shape_cast %reduce_sum3A_246 : vector<800xf32> to vector<800x1xf32>
    %div3A_248 = arith.constant 1.280000e+02 : f32
    %div3A_249 = vector.broadcast %div3A_248 : f32 to vector<800x1xf32>
    %div3A_250 = arith.divf %broadcast_in_dim3A_247, %div3A_249 : vector<800x1xf32>
    %add3A_251 = arith.constant 9.99999974E-6 : f32
    %add3A_252 = vector.broadcast %add3A_251 : f32 to vector<800x1xf32>
    %add3A_253 = arith.addf %div3A_250, %add3A_252 : vector<800x1xf32>
    %rsqrt3A_254 = math.rsqrt %add3A_253 : vector<800x1xf32>
    %mul3A_255 = vector.broadcast %rsqrt3A_254 : vector<800x1xf32> to vector<800x128xf32>
    %mul3A_256 = arith.mulf %sub3A_243, %mul3A_255 : vector<800x128xf32>
    %mul3A_257 = vector.broadcast %get3A_67 : vector<1x128xf32> to vector<800x128xf32>
    %mul3A_258 = arith.mulf %mul3A_256, %mul3A_257 : vector<800x128xf32>
    %add3A_259 = vector.broadcast %get3A_70 : vector<1x128xf32> to vector<800x128xf32>
    %add3A_260 = arith.addf %mul3A_258, %add3A_259 : vector<800x128xf32>
    %reduce_sum3A_261 = arith.constant dense<0.000000e+00> : vector<800xf32>
    %reduce_sum3A_262 = vector.multi_reduction <add>, %add3A_260, %reduce_sum3A_261 [1] : vector<800x128xf32> to vector<800xf32>
    %broadcast_in_dim3A_263 = vector.shape_cast %reduce_sum3A_262 : vector<800xf32> to vector<800x1xf32>
    %div3A_264 = arith.constant 1.280000e+02 : f32
    %div3A_265 = vector.broadcast %div3A_264 : f32 to vector<800x1xf32>
    %div3A_266 = arith.divf %broadcast_in_dim3A_263, %div3A_265 : vector<800x1xf32>
    %sub3A_267 = vector.broadcast %div3A_266 : vector<800x1xf32> to vector<800x128xf32>
    %sub3A_268 = arith.subf %add3A_260, %sub3A_267 : vector<800x128xf32>
    %mul3A_269 = arith.mulf %sub3A_268, %sub3A_268 : vector<800x128xf32>
    %reduce_sum3A_270 = arith.constant dense<0.000000e+00> : vector<800xf32>
    %reduce_sum3A_271 = vector.multi_reduction <add>, %mul3A_269, %reduce_sum3A_270 [1] : vector<800x128xf32> to vector<800xf32>
    %broadcast_in_dim3A_272 = vector.shape_cast %reduce_sum3A_271 : vector<800xf32> to vector<800x1xf32>
    %div3A_273 = arith.constant 1.280000e+02 : f32
    %div3A_274 = vector.broadcast %div3A_273 : f32 to vector<800x1xf32>
    %div3A_275 = arith.divf %broadcast_in_dim3A_272, %div3A_274 : vector<800x1xf32>
    %add3A_276 = arith.constant 9.99999974E-6 : f32
    %add3A_277 = vector.broadcast %add3A_276 : f32 to vector<800x1xf32>
    %add3A_278 = arith.addf %div3A_275, %add3A_277 : vector<800x1xf32>
    %rsqrt3A_279 = math.rsqrt %add3A_278 : vector<800x1xf32>
    %mul3A_280 = vector.broadcast %rsqrt3A_279 : vector<800x1xf32> to vector<800x128xf32>
    %mul3A_281 = arith.mulf %sub3A_268, %mul3A_280 : vector<800x128xf32>
    %mul3A_282 = vector.broadcast %get3A_73 : vector<1x128xf32> to vector<800x128xf32>
    %mul3A_283 = arith.mulf %mul3A_281, %mul3A_282 : vector<800x128xf32>
    %add3A_284 = vector.broadcast %get3A_76 : vector<1x128xf32> to vector<800x128xf32>
    %add3A_285 = arith.addf %mul3A_283, %add3A_284 : vector<800x128xf32>
    %swap3A = arith.constant 0 : index
    %swap3A_286 = arith.constant 0 : index
    %swap3A_287 = vector.load %arg44[%swap3A, %swap3A_286] : memref<800x128xf32, #tpu.memory_space<vmem>>, vector<800x128xf32>
    tpu.vector_store %arg44[%swap3A, %swap3A_286], %add3A_285 {strides = array<i32>} : memref<800x128xf32, #tpu.memory_space<vmem>>, vector<800x128xf32>,
    %dot_general3A_288 = arith.constant dense<0.000000e+00> : vector<800x512xf32>
    %dot_general3A_289 = tpu.matmul %add3A_285, %get3A_79, %dot_general3A_288 {dimension_numbers = #tpu.dot_dimension_numbers<[1], [0], [0], [1], [0, 0, 1, 1], [], []>, precision = #tpu.contract_precision<fp32>, transpose_lhs_hint = false} : vector<800x128xf32>, vector<128x512xf32>, vector<800x512xf32> -> vector<800x512xf32>
    %add3A_290 = vector.broadcast %get3A_82 : vector<1x512xf32> to vector<800x512xf32>
    %add3A_291 = arith.addf %dot_general3A_289, %add3A_290 : vector<800x512xf32>
    %max3A_292 = arith.constant 0.000000e+00 : f32
    %max3A_293 = vector.broadcast %max3A_292 : f32 to vector<800x512xf32>
    %max3A_294 = arith.maximumf %add3A_291, %max3A_293 : vector<800x512xf32>
    %slice3A_295 = vector.extract_strided_slice %max3A_294 {offsets = [0, 0], sizes = [800, 128], strides = [1, 1]} : vector<800x512xf32> to vector<800x128xf32>
    %dot_general3A_296 = arith.constant dense<0.000000e+00> : vector<800x128xf32>
    %dot_general3A_297 = tpu.matmul %slice3A_295, %get3A_85, %dot_general3A_296 {dimension_numbers = #tpu.dot_dimension_numbers<[1], [0], [0], [1], [0, 0, 1, 1], [], []>, precision = #tpu.contract_precision<fp32>, transpose_lhs_hint = false} : vector<800x128xf32>, vector<128x128xf32>, vector<800x128xf32> -> vector<800x128xf32>
    %add3A_298 = vector.broadcast %get3A_88 : vector<1x128xf32> to vector<800x128xf32>
    %add3A_299 = arith.addf %dot_general3A_297, %add3A_298 : vector<800x128xf32>
    %max3A_300 = arith.constant 0.000000e+00 : f32
    %max3A_301 = vector.broadcast %max3A_300 : f32 to vector<800x128xf32>
    %max3A_302 = arith.maximumf %add3A_299, %max3A_301 : vector<800x128xf32>
    %slice3A_303 = vector.extract_strided_slice %max3A_294 {offsets = [0, 128], sizes = [800, 128], strides = [1, 1]} : vector<800x512xf32> to vector<800x128xf32>
    %dot_general3A_304 = arith.constant dense<0.000000e+00> : vector<800x128xf32>
    %dot_general3A_305 = tpu.matmul %slice3A_303, %get3A_91, %dot_general3A_304 {dimension_numbers = #tpu.dot_dimension_numbers<[1], [0], [0], [1], [0, 0, 1, 1], [], []>, precision = #tpu.contract_precision<fp32>, transpose_lhs_hint = false} : vector<800x128xf32>, vector<128x128xf32>, vector<800x128xf32> -> vector<800x128xf32>
    %add3A_306 = vector.broadcast %get3A_94 : vector<1x128xf32> to vector<800x128xf32>
    %add3A_307 = arith.addf %dot_general3A_305, %add3A_306 : vector<800x128xf32>
    %max3A_308 = arith.constant 0.000000e+00 : f32
    %max3A_309 = vector.broadcast %max3A_308 : f32 to vector<800x128xf32>
    %max3A_310 = arith.maximumf %add3A_307, %max3A_309 : vector<800x128xf32>
    %slice3A_311 = vector.extract_strided_slice %max3A_294 {offsets = [0, 256], sizes = [800, 128], strides = [1, 1]} : vector<800x512xf32> to vector<800x128xf32>
    %dot_general3A_312 = arith.constant dense<0.000000e+00> : vector<800x128xf32>
    %dot_general3A_313 = tpu.matmul %slice3A_311, %get3A_97, %dot_general3A_312 {dimension_numbers = #tpu.dot_dimension_numbers<[1], [0], [0], [1], [0, 0, 1, 1], [], []>, precision = #tpu.contract_precision<fp32>, transpose_lhs_hint = false} : vector<800x128xf32>, vector<128x128xf32>, vector<800x128xf32> -> vector<800x128xf32>
    %add3A_314 = vector.broadcast %get3A_100 : vector<1x128xf32> to vector<800x128xf32>
    %add3A_315 = arith.addf %dot_general3A_313, %add3A_314 : vector<800x128xf32>
    %max3A_316 = arith.constant 0.000000e+00 : f32
    %max3A_317 = vector.broadcast %max3A_316 : f32 to vector<800x128xf32>
    %max3A_318 = arith.maximumf %add3A_315, %max3A_317 : vector<800x128xf32>
    %slice3A_319 = vector.extract_strided_slice %max3A_294 {offsets = [0, 384], sizes = [800, 128], strides = [1, 1]} : vector<800x512xf32> to vector<800x128xf32>
    %dot_general3A_320 = arith.constant dense<0.000000e+00> : vector<800x128xf32>
    %dot_general3A_321 = tpu.matmul %slice3A_319, %get3A_103, %dot_general3A_320 {dimension_numbers = #tpu.dot_dimension_numbers<[1], [0], [0], [1], [0, 0, 1, 1], [], []>, precision = #tpu.contract_precision<fp32>, transpose_lhs_hint = false} : vector<800x128xf32>, vector<128x128xf32>, vector<800x128xf32> -> vector<800x128xf32>
    %add3A_322 = vector.broadcast %get3A_106 : vector<1x128xf32> to vector<800x128xf32>
    %add3A_323 = arith.addf %dot_general3A_321, %add3A_322 : vector<800x128xf32>
    %max3A_324 = arith.constant 0.000000e+00 : f32
    %max3A_325 = vector.broadcast %max3A_324 : f32 to vector<800x128xf32>
    %max3A_326 = arith.maximumf %add3A_323, %max3A_325 : vector<800x128xf32>
    %concatenate3A_327 = tpu.concatenate %max3A_302, %max3A_310, %max3A_318, %max3A_326 in 1 : vector<800x128xf32>, vector<800x128xf32>, vector<800x128xf32>, vector<800x128xf32> -> vector<800x512xf32>
    %dot_general3A_328 = arith.constant dense<0.000000e+00> : vector<800x48xf32>
    %dot_general3A_329 = tpu.matmul %concatenate3A_327, %get3A_109, %dot_general3A_328 {dimension_numbers = #tpu.dot_dimension_numbers<[1], [0], [0], [1], [0, 0, 1, 1], [], []>, precision = #tpu.contract_precision<fp32>, transpose_lhs_hint = false} : vector<800x512xf32>, vector<512x48xf32>, vector<800x48xf32> -> vector<800x48xf32>
    %add3A_330 = vector.broadcast %get3A_112 : vector<1x48xf32> to vector<800x48xf32>
    %add3A_331 = arith.addf %dot_general3A_329, %add3A_330 : vector<800x48xf32>
    %slice3A_332 = vector.extract_strided_slice %add3A_331 {offsets = [0, 0], sizes = [800, 15], strides = [1, 1]} : vector<800x48xf32> to vector<800x15xf32>
    %slice3A_333 = vector.extract_strided_slice %get3A_115 {offsets = [0, 36], sizes = [800, 15], strides = [1, 1]} : vector<800x128xf32> to vector<800x15xf32>
    %mul3A_334 = arith.mulf %slice3A_332, %slice3A_333 : vector<800x15xf32>
    %slice3A_335 = vector.extract_strided_slice %add3A_331 {offsets = [0, 15], sizes = [800, 15], strides = [1, 1]} : vector<800x48xf32> to vector<800x15xf32>
    %slice3A_336 = vector.extract_strided_slice %get3A_115 {offsets = [0, 51], sizes = [800, 15], strides = [1, 1]} : vector<800x128xf32> to vector<800x15xf32>
    %mul3A_337 = arith.mulf %slice3A_335, %slice3A_336 : vector<800x15xf32>
    %add3A_338 = arith.addf %mul3A_334, %mul3A_337 : vector<800x15xf32>
    %slice3A_339 = vector.extract_strided_slice %add3A_331 {offsets = [0, 30], sizes = [800, 15], strides = [1, 1]} : vector<800x48xf32> to vector<800x15xf32>
    %slice3A_340 = vector.extract_strided_slice %get3A_115 {offsets = [0, 66], sizes = [800, 15], strides = [1, 1]} : vector<800x128xf32> to vector<800x15xf32>
    %mul3A_341 = arith.mulf %slice3A_339, %slice3A_340 : vector<800x15xf32>
    %add3A_342 = arith.addf %add3A_338, %mul3A_341 : vector<800x15xf32>
    %slice3A_343 = vector.extract_strided_slice %add3A_342 {offsets = [0, 0], sizes = [800, 3], strides = [1, 1]} : vector<800x15xf32> to vector<800x3xf32>
    %slice3A_344 = vector.extract_strided_slice %add3A_342 {offsets = [0, 3], sizes = [800, 3], strides = [1, 1]} : vector<800x15xf32> to vector<800x3xf32>
    %slice3A_345 = vector.extract_strided_slice %add3A_342 {offsets = [0, 6], sizes = [800, 3], strides = [1, 1]} : vector<800x15xf32> to vector<800x3xf32>
    %swap3A_346 = arith.constant 0 : index
    %swap3A_347 = arith.constant 0 : index
    %swap3A_348 = vector.load %arg45[%swap3A_346, %swap3A_347] : memref<800x3xf32, #tpu.memory_space<vmem>>, vector<800x3xf32>
    tpu.vector_store %arg45[%swap3A_346, %swap3A_347], %slice3A_345 {strides = array<i32>} : memref<800x3xf32, #tpu.memory_space<vmem>>, vector<800x3xf32>,
    %slice3A_349 = vector.extract_strided_slice %add3A_331 {offsets = [0, 45], sizes = [800, 1], strides = [1, 1]} : vector<800x48xf32> to vector<800x1xf32>
    %get3A_350 = arith.constant 0 : index
    %get3A_351 = arith.constant 0 : index
    %get3A_352 = vector.load %arg5[%get3A_350, %get3A_351] : memref<800x1xf32, #tpu.memory_space<vmem>>, vector<800x1xf32>
    %slice3A_353 = vector.extract_strided_slice %get3A_115 {offsets = [0, 84], sizes = [800, 3], strides = [1, 1]} : vector<800x128xf32> to vector<800x3xf32>
    %slice3A_354 = vector.extract_strided_slice %get3A_115 {offsets = [0, 81], sizes = [800, 3], strides = [1, 1]} : vector<800x128xf32> to vector<800x3xf32>
    %sub3A_355 = arith.subf %slice3A_353, %slice3A_354 : vector<800x3xf32>
    %mul3A_356 = vector.broadcast %get3A_352 : vector<800x1xf32> to vector<800x3xf32>
    %mul3A_357 = arith.mulf %mul3A_356, %sub3A_355 : vector<800x3xf32>
    %slice3A_358 = vector.extract_strided_slice %get3A_115 {offsets = [0, 90], sizes = [800, 3], strides = [1, 1]} : vector<800x128xf32> to vector<800x3xf32>
    %slice3A_359 = vector.extract_strided_slice %get3A_115 {offsets = [0, 87], sizes = [800, 3], strides = [1, 1]} : vector<800x128xf32> to vector<800x3xf32>
    %sub3A_360 = arith.subf %slice3A_358, %slice3A_359 : vector<800x3xf32>
    %mul3A_361 = vector.broadcast %get3A_352 : vector<800x1xf32> to vector<800x3xf32>
    %mul3A_362 = arith.mulf %mul3A_361, %sub3A_360 : vector<800x3xf32>
    %slice3A_363 = vector.extract_strided_slice %add3A_342 {offsets = [0, 12], sizes = [800, 3], strides = [1, 1]} : vector<800x15xf32> to vector<800x3xf32>
    %mul3A_364 = arith.mulf %mul3A_357, %slice3A_363 : vector<800x3xf32>
    %slice3A_365 = vector.extract_strided_slice %add3A_342 {offsets = [0, 9], sizes = [800, 3], strides = [1, 1]} : vector<800x15xf32> to vector<800x3xf32>
    %mul3A_366 = arith.mulf %mul3A_362, %slice3A_365 : vector<800x3xf32>
    %sub3A_367 = arith.subf %mul3A_364, %mul3A_366 : vector<800x3xf32>
    %mul3A_368 = vector.broadcast %slice3A_349 : vector<800x1xf32> to vector<800x3xf32>
    %mul3A_369 = arith.mulf %mul3A_368, %sub3A_367 : vector<800x3xf32>
    %sub3A_370 = arith.subf %slice3A_344, %mul3A_369 : vector<800x3xf32>
    %broadcast_in_dim3A_371 = arith.constant 0.000000e+00 : f32
    %broadcast_in_dim3A_372 = vector.broadcast %broadcast_in_dim3A_371 : f32 to vector<800x10xf32>
    %concatenate3A_373 = tpu.concatenate %slice3A_343, %sub3A_370, %broadcast_in_dim3A_372 in 1 : vector<800x3xf32>, vector<800x3xf32>, vector<800x10xf32> -> vector<800x16xf32>
    %swap3A_374 = arith.constant 0 : index
    %swap3A_375 = arith.constant 0 : index
    %swap3A_376 = vector.load %arg46[%swap3A_374, %swap3A_375] : memref<800x16xf32, #tpu.memory_space<vmem>>, vector<800x16xf32>
    tpu.vector_store %arg46[%swap3A_374, %swap3A_375], %concatenate3A_373 {strides = array<i32>} : memref<800x16xf32, #tpu.memory_space<vmem>>, vector<800x16xf32>,
    return
  }
  func.func @transform_0(%arg0: i32) -> (i32, i32) {
    %c0_i32 = arith.constant 0 : i32
    %c0_i32_0 = arith.constant 0 : i32
    return %arg0, %c0_i32 : i32, i32
  }
  func.func @transform_1(%arg0: i32) -> (i32, i32) {
    %c0_i32 = arith.constant 0 : i32
    %c0_i32_0 = arith.constant 0 : i32
    return %arg0, %c0_i32 : i32, i32
  }
  func.func @transform_2(%arg0: i32) -> (i32, i32) {
    %c0_i32 = arith.constant 0 : i32
    %c0_i32_0 = arith.constant 0 : i32
    return %arg0, %c0_i32 : i32, i32
  }
  func.func @transform_3(%arg0: i32) -> (i32, i32) {
    %c0_i32 = arith.constant 0 : i32
    %c0_i32_0 = arith.constant 0 : i32
    return %arg0, %c0_i32 : i32, i32
  }
  func.func @transform_4(%arg0: i32) -> (i32, i32) {
    %c0_i32 = arith.constant 0 : i32
    %c0_i32_0 = arith.constant 0 : i32
    return %arg0, %c0_i32 : i32, i32
  }
  func.func @transform_5(%arg0: i32) -> (i32, i32) {
    %c0_i32 = arith.constant 0 : i32
    %c0_i32_0 = arith.constant 0 : i32
    %c0_i32_1 = arith.constant 0 : i32
    return %c0_i32, %c0_i32_0 : i32, i32
  }
  func.func @transform_6(%arg0: i32) -> (i32, i32) {
    %c0_i32 = arith.constant 0 : i32
    %c0_i32_0 = arith.constant 0 : i32
    %c0_i32_1 = arith.constant 0 : i32
    return %c0_i32, %c0_i32_0 : i32, i32
  }
  func.func @transform_7(%arg0: i32) -> (i32, i32) {
    %c0_i32 = arith.constant 0 : i32
    %c0_i32_0 = arith.constant 0 : i32
    %c0_i32_1 = arith.constant 0 : i32
    return %c0_i32, %c0_i32_0 : i32, i32
  }
  func.func @transform_8(%arg0: i32) -> (i32, i32) {
    %c0_i32 = arith.constant 0 : i32
    %c0_i32_0 = arith.constant 0 : i32
    %c0_i32_1 = arith.constant 0 : i32
    return %c0_i32, %c0_i32_0 : i32, i32
  }
  func.func @transform_9(%arg0: i32) -> (i32, i32) {
    %c0_i32 = arith.constant 0 : i32
    %c0_i32_0 = arith.constant 0 : i32
    %c0_i32_1 = arith.constant 0 : i32
    return %c0_i32, %c0_i32_0 : i32, i32
  }
  func.func @transform_10(%arg0: i32) -> (i32, i32) {
    %c0_i32 = arith.constant 0 : i32
    %c0_i32_0 = arith.constant 0 : i32
    %c0_i32_1 = arith.constant 0 : i32
    return %c0_i32, %c0_i32_0 : i32, i32
  }
  func.func @transform_11(%arg0: i32) -> (i32, i32) {
    %c0_i32 = arith.constant 0 : i32
    %c0_i32_0 = arith.constant 0 : i32
    %c0_i32_1 = arith.constant 0 : i32
    return %c0_i32, %c0_i32_0 : i32, i32
  }
  func.func @transform_12(%arg0: i32) -> (i32, i32) {
    %c0_i32 = arith.constant 0 : i32
    %c0_i32_0 = arith.constant 0 : i32
    %c0_i32_1 = arith.constant 0 : i32
    return %c0_i32, %c0_i32_0 : i32, i32
  }
  func.func @transform_13(%arg0: i32) -> (i32, i32) {
    %c0_i32 = arith.constant 0 : i32
    %c0_i32_0 = arith.constant 0 : i32
    %c0_i32_1 = arith.constant 0 : i32
    return %c0_i32, %c0_i32_0 : i32, i32
  }
  func.func @transform_14(%arg0: i32) -> (i32, i32) {
    %c0_i32 = arith.constant 0 : i32
    %c0_i32_0 = arith.constant 0 : i32
    %c0_i32_1 = arith.constant 0 : i32
    return %c0_i32, %c0_i32_0 : i32, i32
  }
  func.func @transform_15(%arg0: i32) -> (i32, i32) {
    %c0_i32 = arith.constant 0 : i32
    %c0_i32_0 = arith.constant 0 : i32
    %c0_i32_1 = arith.constant 0 : i32
    return %c0_i32, %c0_i32_0 : i32, i32
  }
  func.func @transform_16(%arg0: i32) -> (i32, i32) {
    %c0_i32 = arith.constant 0 : i32
    %c0_i32_0 = arith.constant 0 : i32
    %c0_i32_1 = arith.constant 0 : i32
    return %c0_i32, %c0_i32_0 : i32, i32
  }
  func.func @transform_17(%arg0: i32) -> (i32, i32) {
    %c0_i32 = arith.constant 0 : i32
    %c0_i32_0 = arith.constant 0 : i32
    %c0_i32_1 = arith.constant 0 : i32
    return %c0_i32, %c0_i32_0 : i32, i32
  }
  func.func @transform_18(%arg0: i32) -> (i32, i32) {
    %c0_i32 = arith.constant 0 : i32
    %c0_i32_0 = arith.constant 0 : i32
    %c0_i32_1 = arith.constant 0 : i32
    return %c0_i32, %c0_i32_0 : i32, i32
  }
  func.func @transform_19(%arg0: i32) -> (i32, i32) {
    %c0_i32 = arith.constant 0 : i32
    %c0_i32_0 = arith.constant 0 : i32
    %c0_i32_1 = arith.constant 0 : i32
    return %c0_i32, %c0_i32_0 : i32, i32
  }
  func.func @transform_20(%arg0: i32) -> (i32, i32) {
    %c0_i32 = arith.constant 0 : i32
    %c0_i32_0 = arith.constant 0 : i32
    %c0_i32_1 = arith.constant 0 : i32
    return %c0_i32, %c0_i32_0 : i32, i32
  }
  func.func @transform_21(%arg0: i32) -> (i32, i32) {
    %c0_i32 = arith.constant 0 : i32
    %c0_i32_0 = arith.constant 0 : i32
    %c0_i32_1 = arith.constant 0 : i32
    return %c0_i32, %c0_i32_0 : i32, i32
  }
  func.func @transform_22(%arg0: i32) -> (i32, i32) {
    %c0_i32 = arith.constant 0 : i32
    %c0_i32_0 = arith.constant 0 : i32
    %c0_i32_1 = arith.constant 0 : i32
    return %c0_i32, %c0_i32_0 : i32, i32
  }
  func.func @transform_23(%arg0: i32) -> (i32, i32) {
    %c0_i32 = arith.constant 0 : i32
    %c0_i32_0 = arith.constant 0 : i32
    %c0_i32_1 = arith.constant 0 : i32
    return %c0_i32, %c0_i32_0 : i32, i32
  }
  func.func @transform_24(%arg0: i32) -> (i32, i32) {
    %c0_i32 = arith.constant 0 : i32
    %c0_i32_0 = arith.constant 0 : i32
    %c0_i32_1 = arith.constant 0 : i32
    return %c0_i32, %c0_i32_0 : i32, i32
  }
  func.func @transform_25(%arg0: i32) -> (i32, i32) {
    %c0_i32 = arith.constant 0 : i32
    %c0_i32_0 = arith.constant 0 : i32
    %c0_i32_1 = arith.constant 0 : i32
    return %c0_i32, %c0_i32_0 : i32, i32
  }
  func.func @transform_26(%arg0: i32) -> (i32, i32) {
    %c0_i32 = arith.constant 0 : i32
    %c0_i32_0 = arith.constant 0 : i32
    %c0_i32_1 = arith.constant 0 : i32
    return %c0_i32, %c0_i32_0 : i32, i32
  }
  func.func @transform_27(%arg0: i32) -> (i32, i32) {
    %c0_i32 = arith.constant 0 : i32
    %c0_i32_0 = arith.constant 0 : i32
    %c0_i32_1 = arith.constant 0 : i32
    return %c0_i32, %c0_i32_0 : i32, i32
  }
  func.func @transform_28(%arg0: i32) -> (i32, i32) {
    %c0_i32 = arith.constant 0 : i32
    %c0_i32_0 = arith.constant 0 : i32
    %c0_i32_1 = arith.constant 0 : i32
    return %c0_i32, %c0_i32_0 : i32, i32
  }
  func.func @transform_29(%arg0: i32) -> (i32, i32) {
    %c0_i32 = arith.constant 0 : i32
    %c0_i32_0 = arith.constant 0 : i32
    %c0_i32_1 = arith.constant 0 : i32
    return %c0_i32, %c0_i32_0 : i32, i32
  }
  func.func @transform_30(%arg0: i32) -> (i32, i32) {
    %c0_i32 = arith.constant 0 : i32
    %c0_i32_0 = arith.constant 0 : i32
    %c0_i32_1 = arith.constant 0 : i32
    return %c0_i32, %c0_i32_0 : i32, i32
  }
  func.func @transform_31(%arg0: i32) -> (i32, i32) {
    %c0_i32 = arith.constant 0 : i32
    %c0_i32_0 = arith.constant 0 : i32
    %c0_i32_1 = arith.constant 0 : i32
    return %c0_i32, %c0_i32_0 : i32, i32
  }
  func.func @transform_32(%arg0: i32) -> (i32, i32) {
    %c0_i32 = arith.constant 0 : i32
    %c0_i32_0 = arith.constant 0 : i32
    %c0_i32_1 = arith.constant 0 : i32
    return %c0_i32, %c0_i32_0 : i32, i32
  }
  func.func @transform_33(%arg0: i32) -> (i32, i32) {
    %c0_i32 = arith.constant 0 : i32
    %c0_i32_0 = arith.constant 0 : i32
    %c0_i32_1 = arith.constant 0 : i32
    return %c0_i32, %c0_i32_0 : i32, i32
  }
  func.func @transform_34(%arg0: i32) -> (i32, i32) {
    %c0_i32 = arith.constant 0 : i32
    %c0_i32_0 = arith.constant 0 : i32
    %c0_i32_1 = arith.constant 0 : i32
    return %c0_i32, %c0_i32_0 : i32, i32
  }
  func.func @transform_35(%arg0: i32) -> (i32, i32) {
    %c0_i32 = arith.constant 0 : i32
    %c0_i32_0 = arith.constant 0 : i32
    %c0_i32_1 = arith.constant 0 : i32
    return %c0_i32, %c0_i32_0 : i32, i32
  }
  func.func @transform_36(%arg0: i32) -> (i32, i32) {
    %c0_i32 = arith.constant 0 : i32
    %c0_i32_0 = arith.constant 0 : i32
    %c0_i32_1 = arith.constant 0 : i32
    return %c0_i32, %c0_i32_0 : i32, i32
  }
  func.func @transform_37(%arg0: i32) -> (i32, i32) {
    %c0_i32 = arith.constant 0 : i32
    %c0_i32_0 = arith.constant 0 : i32
    %c0_i32_1 = arith.constant 0 : i32
    return %c0_i32, %c0_i32_0 : i32, i32
  }
  func.func @transform_38(%arg0: i32) -> (i32, i32) {
    %c0_i32 = arith.constant 0 : i32
    %c0_i32_0 = arith.constant 0 : i32
    %c0_i32_1 = arith.constant 0 : i32
    return %c0_i32, %c0_i32_0 : i32, i32
  }
  func.func @transform_39(%arg0: i32) -> (i32, i32) {
    %c0_i32 = arith.constant 0 : i32
    %c0_i32_0 = arith.constant 0 : i32
    %c0_i32_1 = arith.constant 0 : i32
    return %c0_i32, %c0_i32_0 : i32, i32
  }
  func.func @transform_40(%arg0: i32) -> (i32, i32) {
    %c0_i32 = arith.constant 0 : i32
    %c0_i32_0 = arith.constant 0 : i32
    %c0_i32_1 = arith.constant 0 : i32
    return %c0_i32, %c0_i32_0 : i32, i32
  }
  func.func @transform_41(%arg0: i32) -> (i32, i32) {
    %c0_i32 = arith.constant 0 : i32
    %c0_i32_0 = arith.constant 0 : i32
    %c0_i32_1 = arith.constant 0 : i32
    return %c0_i32, %c0_i32_0 : i32, i32
  }
  func.func @transform_42(%arg0: i32) -> (i32, i32) {
    %c0_i32 = arith.constant 0 : i32
    %c0_i32_0 = arith.constant 0 : i32
    %c0_i32_1 = arith.constant 0 : i32
    return %c0_i32, %c0_i32_0 : i32, i32
  }
  func.func @transform_43(%arg0: i32) -> (i32, i32) {
    %c0_i32 = arith.constant 0 : i32
    %c0_i32_0 = arith.constant 0 : i32
    return %arg0, %c0_i32 : i32, i32
  }
  func.func @transform_44(%arg0: i32) -> (i32, i32) {
    %c0_i32 = arith.constant 0 : i32
    %c0_i32_0 = arith.constant 0 : i32
    return %arg0, %c0_i32 : i32, i32
  }
  func.func @transform_45(%arg0: i32) -> (i32, i32) {
    %c0_i32 = arith.constant 0 : i32
    %c0_i32_0 = arith.constant 0 : i32
    return %arg0, %c0_i32 : i32, i32
  }
}

module attributes {stable_mosaic.version = 14 : i64} {
  func.func @_node_body(%arg0: i32, %arg1: memref<1000x128xf32, #tpu.memory_space<vmem>>, %arg2: memref<2x1000x16xf32, #tpu.memory_space<vmem>>, %arg3: memref<128x384xf32, #tpu.memory_space<vmem>>, %arg4: memref<1x384xf32, #tpu.memory_space<vmem>>, %arg5: memref<128x128xf32, #tpu.memory_space<vmem>>, %arg6: memref<1x128xf32, #tpu.memory_space<vmem>>, %arg7: memref<128x128xf32, #tpu.memory_space<vmem>>, %arg8: memref<1x128xf32, #tpu.memory_space<vmem>>, %arg9: memref<128x128xf32, #tpu.memory_space<vmem>>, %arg10: memref<1x128xf32, #tpu.memory_space<vmem>>, %arg11: memref<384x8xf32, #tpu.memory_space<vmem>>, %arg12: memref<1x8xf32, #tpu.memory_space<vmem>>, %arg13: memref<1000x3xf32, #tpu.memory_space<vmem>>, %arg14: memref<1000x3xf32, #tpu.memory_space<vmem>>) attributes {dimension_semantics = [#tpu.dimension_semantics<arbitrary>], iteration_bounds = array<i64: 10>, scalar_prefetch = 0 : i64, scratch_operands = 0 : i64, tpu.core_type = #tpu.core_type<tc>, window_params = [{transform_indices = @transform_0, window_bounds = array<i64: 1000, 128>}, {transform_indices = @transform_1, window_bounds = array<i64: 2, 1000, 16>}, {pipeline_mode = #tpu.pipeline_mode<synchronous>, transform_indices = @transform_2, window_bounds = array<i64: 128, 384>}, {pipeline_mode = #tpu.pipeline_mode<synchronous>, transform_indices = @transform_3, window_bounds = array<i64: 1, 384>}, {pipeline_mode = #tpu.pipeline_mode<synchronous>, transform_indices = @transform_4, window_bounds = array<i64: 128, 128>}, {pipeline_mode = #tpu.pipeline_mode<synchronous>, transform_indices = @transform_5, window_bounds = array<i64: 1, 128>}, {pipeline_mode = #tpu.pipeline_mode<synchronous>, transform_indices = @transform_6, window_bounds = array<i64: 128, 128>}, {pipeline_mode = #tpu.pipeline_mode<synchronous>, transform_indices = @transform_7, window_bounds = array<i64: 1, 128>}, {pipeline_mode = #tpu.pipeline_mode<synchronous>, transform_indices = @transform_8, window_bounds = array<i64: 128, 128>}, {pipeline_mode = #tpu.pipeline_mode<synchronous>, transform_indices = @transform_9, window_bounds = array<i64: 1, 128>}, {pipeline_mode = #tpu.pipeline_mode<synchronous>, transform_indices = @transform_10, window_bounds = array<i64: 384, 8>}, {pipeline_mode = #tpu.pipeline_mode<synchronous>, transform_indices = @transform_11, window_bounds = array<i64: 1, 8>}, {transform_indices = @transform_12, window_bounds = array<i64: 1000, 3>}, {transform_indices = @transform_13, window_bounds = array<i64: 1000, 3>}]} {
    %get3A = arith.constant 0 : index
    %get3A_0 = arith.constant 0 : index
    %get3A_1 = vector.load %arg3[%get3A, %get3A_0] : memref<128x384xf32, #tpu.memory_space<vmem>>, vector<128x384xf32>
    %get3A_2 = arith.constant 0 : index
    %get3A_3 = arith.constant 0 : index
    %get3A_4 = vector.load %arg4[%get3A_2, %get3A_3] : memref<1x384xf32, #tpu.memory_space<vmem>>, vector<1x384xf32>
    %get3A_5 = arith.constant 0 : index
    %get3A_6 = arith.constant 0 : index
    %get3A_7 = vector.load %arg5[%get3A_5, %get3A_6] : memref<128x128xf32, #tpu.memory_space<vmem>>, vector<128x128xf32>
    %get3A_8 = arith.constant 0 : index
    %get3A_9 = arith.constant 0 : index
    %get3A_10 = vector.load %arg6[%get3A_8, %get3A_9] : memref<1x128xf32, #tpu.memory_space<vmem>>, vector<1x128xf32>
    %get3A_11 = arith.constant 0 : index
    %get3A_12 = arith.constant 0 : index
    %get3A_13 = vector.load %arg7[%get3A_11, %get3A_12] : memref<128x128xf32, #tpu.memory_space<vmem>>, vector<128x128xf32>
    %get3A_14 = arith.constant 0 : index
    %get3A_15 = arith.constant 0 : index
    %get3A_16 = vector.load %arg8[%get3A_14, %get3A_15] : memref<1x128xf32, #tpu.memory_space<vmem>>, vector<1x128xf32>
    %get3A_17 = arith.constant 0 : index
    %get3A_18 = arith.constant 0 : index
    %get3A_19 = vector.load %arg9[%get3A_17, %get3A_18] : memref<128x128xf32, #tpu.memory_space<vmem>>, vector<128x128xf32>
    %get3A_20 = arith.constant 0 : index
    %get3A_21 = arith.constant 0 : index
    %get3A_22 = vector.load %arg10[%get3A_20, %get3A_21] : memref<1x128xf32, #tpu.memory_space<vmem>>, vector<1x128xf32>
    %get3A_23 = arith.constant 0 : index
    %get3A_24 = arith.constant 0 : index
    %get3A_25 = vector.load %arg11[%get3A_23, %get3A_24] : memref<384x8xf32, #tpu.memory_space<vmem>>, vector<384x8xf32>
    %get3A_26 = arith.constant 0 : index
    %get3A_27 = arith.constant 0 : index
    %get3A_28 = vector.load %arg12[%get3A_26, %get3A_27] : memref<1x8xf32, #tpu.memory_space<vmem>>, vector<1x8xf32>
    %get3A_29 = arith.constant 0 : index
    %get3A_30 = arith.constant 0 : index
    %get3A_31 = vector.load %arg1[%get3A_29, %get3A_30] : memref<1000x128xf32, #tpu.memory_space<vmem>>, vector<1000x128xf32>
    %dot_general3A = arith.constant dense<0.000000e+00> : vector<1000x384xf32>
    %dot_general3A_32 = tpu.matmul %get3A_31, %get3A_1, %dot_general3A {dimension_numbers = #tpu.dot_dimension_numbers<[1], [0], [0], [1], [0, 0, 1, 1], [], []>, transpose_lhs_hint = false} : vector<1000x128xf32>, vector<128x384xf32>, vector<1000x384xf32> -> vector<1000x384xf32>
    %add3A = vector.broadcast %get3A_4 : vector<1x384xf32> to vector<1000x384xf32>
    %add3A_33 = arith.addf %dot_general3A_32, %add3A : vector<1000x384xf32>
    %max3A = arith.constant 0.000000e+00 : f32
    %max3A_34 = vector.broadcast %max3A : f32 to vector<1000x384xf32>
    %max3A_35 = arith.maximumf %add3A_33, %max3A_34 : vector<1000x384xf32>
    %slice3A = vector.extract_strided_slice %max3A_35 {offsets = [0, 0], sizes = [1000, 128], strides = [1, 1]} : vector<1000x384xf32> to vector<1000x128xf32>
    %dot_general3A_36 = arith.constant dense<0.000000e+00> : vector<1000x128xf32>
    %dot_general3A_37 = tpu.matmul %slice3A, %get3A_7, %dot_general3A_36 {dimension_numbers = #tpu.dot_dimension_numbers<[1], [0], [0], [1], [0, 0, 1, 1], [], []>, transpose_lhs_hint = false} : vector<1000x128xf32>, vector<128x128xf32>, vector<1000x128xf32> -> vector<1000x128xf32>
    %add3A_38 = vector.broadcast %get3A_10 : vector<1x128xf32> to vector<1000x128xf32>
    %add3A_39 = arith.addf %dot_general3A_37, %add3A_38 : vector<1000x128xf32>
    %max3A_40 = arith.constant 0.000000e+00 : f32
    %max3A_41 = vector.broadcast %max3A_40 : f32 to vector<1000x128xf32>
    %max3A_42 = arith.maximumf %add3A_39, %max3A_41 : vector<1000x128xf32>
    %slice3A_43 = vector.extract_strided_slice %max3A_35 {offsets = [0, 128], sizes = [1000, 128], strides = [1, 1]} : vector<1000x384xf32> to vector<1000x128xf32>
    %dot_general3A_44 = arith.constant dense<0.000000e+00> : vector<1000x128xf32>
    %dot_general3A_45 = tpu.matmul %slice3A_43, %get3A_13, %dot_general3A_44 {dimension_numbers = #tpu.dot_dimension_numbers<[1], [0], [0], [1], [0, 0, 1, 1], [], []>, transpose_lhs_hint = false} : vector<1000x128xf32>, vector<128x128xf32>, vector<1000x128xf32> -> vector<1000x128xf32>
    %add3A_46 = vector.broadcast %get3A_16 : vector<1x128xf32> to vector<1000x128xf32>
    %add3A_47 = arith.addf %dot_general3A_45, %add3A_46 : vector<1000x128xf32>
    %max3A_48 = arith.constant 0.000000e+00 : f32
    %max3A_49 = vector.broadcast %max3A_48 : f32 to vector<1000x128xf32>
    %max3A_50 = arith.maximumf %add3A_47, %max3A_49 : vector<1000x128xf32>
    %slice3A_51 = vector.extract_strided_slice %max3A_35 {offsets = [0, 256], sizes = [1000, 128], strides = [1, 1]} : vector<1000x384xf32> to vector<1000x128xf32>
    %dot_general3A_52 = arith.constant dense<0.000000e+00> : vector<1000x128xf32>
    %dot_general3A_53 = tpu.matmul %slice3A_51, %get3A_19, %dot_general3A_52 {dimension_numbers = #tpu.dot_dimension_numbers<[1], [0], [0], [1], [0, 0, 1, 1], [], []>, transpose_lhs_hint = false} : vector<1000x128xf32>, vector<128x128xf32>, vector<1000x128xf32> -> vector<1000x128xf32>
    %add3A_54 = vector.broadcast %get3A_22 : vector<1x128xf32> to vector<1000x128xf32>
    %add3A_55 = arith.addf %dot_general3A_53, %add3A_54 : vector<1000x128xf32>
    %max3A_56 = arith.constant 0.000000e+00 : f32
    %max3A_57 = vector.broadcast %max3A_56 : f32 to vector<1000x128xf32>
    %max3A_58 = arith.maximumf %add3A_55, %max3A_57 : vector<1000x128xf32>
    %concatenate3A = tpu.concatenate %max3A_42, %max3A_50, %max3A_58 in 1 : vector<1000x128xf32>, vector<1000x128xf32>, vector<1000x128xf32> -> vector<1000x384xf32>
    %dot_general3A_59 = arith.constant dense<0.000000e+00> : vector<1000x8xf32>
    %dot_general3A_60 = tpu.matmul %concatenate3A, %get3A_25, %dot_general3A_59 {dimension_numbers = #tpu.dot_dimension_numbers<[1], [0], [0], [1], [0, 0, 1, 1], [], []>, transpose_lhs_hint = false} : vector<1000x384xf32>, vector<384x8xf32>, vector<1000x8xf32> -> vector<1000x8xf32>
    %add3A_61 = vector.broadcast %get3A_28 : vector<1x8xf32> to vector<1000x8xf32>
    %add3A_62 = arith.addf %dot_general3A_60, %add3A_61 : vector<1000x8xf32>
    %get3A_63 = arith.constant 0 : index
    %get3A_64 = arith.constant 0 : index
    %get3A_65 = arith.constant 0 : index
    %get3A_66 = vector.load %arg2[%get3A_63, %get3A_64, %get3A_65] : memref<2x1000x16xf32, #tpu.memory_space<vmem>>, vector<2x1000x16xf32>
    %slice3A_67 = vector.extract_strided_slice %get3A_66 {offsets = [0, 0, 0], sizes = [1, 1000, 16], strides = [1, 1, 1]} : vector<2x1000x16xf32> to vector<1x1000x16xf32>
    %squeeze3A = vector.shape_cast %slice3A_67 : vector<1x1000x16xf32> to vector<1000x16xf32>
    %slice3A_68 = vector.extract_strided_slice %get3A_66 {offsets = [1, 0, 0], sizes = [1, 1000, 16], strides = [1, 1, 1]} : vector<2x1000x16xf32> to vector<1x1000x16xf32>
    %squeeze3A_69 = vector.shape_cast %slice3A_68 : vector<1x1000x16xf32> to vector<1000x16xf32>
    %add3A_70 = arith.addf %squeeze3A, %squeeze3A_69 : vector<1000x16xf32>
    %slice3A_71 = vector.extract_strided_slice %add3A_62 {offsets = [0, 0], sizes = [1000, 1], strides = [1, 1]} : vector<1000x8xf32> to vector<1000x1xf32>
    %slice3A_72 = vector.extract_strided_slice %add3A_70 {offsets = [0, 0], sizes = [1000, 3], strides = [1, 1]} : vector<1000x16xf32> to vector<1000x3xf32>
    %mul3A = vector.broadcast %slice3A_71 : vector<1000x1xf32> to vector<1000x3xf32>
    %mul3A_73 = arith.mulf %mul3A, %slice3A_72 : vector<1000x3xf32>
    %slice3A_74 = vector.extract_strided_slice %add3A_62 {offsets = [0, 2], sizes = [1000, 3], strides = [1, 1]} : vector<1000x8xf32> to vector<1000x3xf32>
    %add3A_75 = arith.addf %mul3A_73, %slice3A_74 : vector<1000x3xf32>
    %swap3A = arith.constant 0 : index
    %swap3A_76 = arith.constant 0 : index
    %swap3A_77 = vector.load %arg13[%swap3A, %swap3A_76] : memref<1000x3xf32, #tpu.memory_space<vmem>>, vector<1000x3xf32>
    tpu.vector_store %arg13[%swap3A, %swap3A_76], %add3A_75 {strides = array<i32>} : memref<1000x3xf32, #tpu.memory_space<vmem>>, vector<1000x3xf32>,
    %slice3A_78 = vector.extract_strided_slice %add3A_62 {offsets = [0, 1], sizes = [1000, 1], strides = [1, 1]} : vector<1000x8xf32> to vector<1000x1xf32>
    %slice3A_79 = vector.extract_strided_slice %add3A_70 {offsets = [0, 3], sizes = [1000, 3], strides = [1, 1]} : vector<1000x16xf32> to vector<1000x3xf32>
    %mul3A_80 = vector.broadcast %slice3A_78 : vector<1000x1xf32> to vector<1000x3xf32>
    %mul3A_81 = arith.mulf %mul3A_80, %slice3A_79 : vector<1000x3xf32>
    %swap3A_82 = arith.constant 0 : index
    %swap3A_83 = arith.constant 0 : index
    %swap3A_84 = vector.load %arg14[%swap3A_82, %swap3A_83] : memref<1000x3xf32, #tpu.memory_space<vmem>>, vector<1000x3xf32>
    tpu.vector_store %arg14[%swap3A_82, %swap3A_83], %mul3A_81 {strides = array<i32>} : memref<1000x3xf32, #tpu.memory_space<vmem>>, vector<1000x3xf32>,
    return
  }
  func.func @transform_0(%arg0: i32) -> (i32, i32) {
    %c0_i32 = arith.constant 0 : i32
    %c0_i32_0 = arith.constant 0 : i32
    return %arg0, %c0_i32 : i32, i32
  }
  func.func @transform_1(%arg0: i32) -> (i32, i32, i32) {
    %c0_i32 = arith.constant 0 : i32
    %c0_i32_0 = arith.constant 0 : i32
    %c0_i32_1 = arith.constant 0 : i32
    return %c0_i32, %arg0, %c0_i32_0 : i32, i32, i32
  }
  func.func @transform_2(%arg0: i32) -> (i32, i32) {
    %c0_i32 = arith.constant 0 : i32
    %c0_i32_0 = arith.constant 0 : i32
    %c0_i32_1 = arith.constant 0 : i32
    return %c0_i32, %c0_i32_0 : i32, i32
  }
  func.func @transform_3(%arg0: i32) -> (i32, i32) {
    %c0_i32 = arith.constant 0 : i32
    %c0_i32_0 = arith.constant 0 : i32
    %c0_i32_1 = arith.constant 0 : i32
    return %c0_i32, %c0_i32_0 : i32, i32
  }
  func.func @transform_4(%arg0: i32) -> (i32, i32) {
    %c0_i32 = arith.constant 0 : i32
    %c0_i32_0 = arith.constant 0 : i32
    %c0_i32_1 = arith.constant 0 : i32
    return %c0_i32, %c0_i32_0 : i32, i32
  }
  func.func @transform_5(%arg0: i32) -> (i32, i32) {
    %c0_i32 = arith.constant 0 : i32
    %c0_i32_0 = arith.constant 0 : i32
    %c0_i32_1 = arith.constant 0 : i32
    return %c0_i32, %c0_i32_0 : i32, i32
  }
  func.func @transform_6(%arg0: i32) -> (i32, i32) {
    %c0_i32 = arith.constant 0 : i32
    %c0_i32_0 = arith.constant 0 : i32
    %c0_i32_1 = arith.constant 0 : i32
    return %c0_i32, %c0_i32_0 : i32, i32
  }
  func.func @transform_7(%arg0: i32) -> (i32, i32) {
    %c0_i32 = arith.constant 0 : i32
    %c0_i32_0 = arith.constant 0 : i32
    %c0_i32_1 = arith.constant 0 : i32
    return %c0_i32, %c0_i32_0 : i32, i32
  }
  func.func @transform_8(%arg0: i32) -> (i32, i32) {
    %c0_i32 = arith.constant 0 : i32
    %c0_i32_0 = arith.constant 0 : i32
    %c0_i32_1 = arith.constant 0 : i32
    return %c0_i32, %c0_i32_0 : i32, i32
  }
  func.func @transform_9(%arg0: i32) -> (i32, i32) {
    %c0_i32 = arith.constant 0 : i32
    %c0_i32_0 = arith.constant 0 : i32
    %c0_i32_1 = arith.constant 0 : i32
    return %c0_i32, %c0_i32_0 : i32, i32
  }
  func.func @transform_10(%arg0: i32) -> (i32, i32) {
    %c0_i32 = arith.constant 0 : i32
    %c0_i32_0 = arith.constant 0 : i32
    %c0_i32_1 = arith.constant 0 : i32
    return %c0_i32, %c0_i32_0 : i32, i32
  }
  func.func @transform_11(%arg0: i32) -> (i32, i32) {
    %c0_i32 = arith.constant 0 : i32
    %c0_i32_0 = arith.constant 0 : i32
    %c0_i32_1 = arith.constant 0 : i32
    return %c0_i32, %c0_i32_0 : i32, i32
  }
  func.func @transform_12(%arg0: i32) -> (i32, i32) {
    %c0_i32 = arith.constant 0 : i32
    %c0_i32_0 = arith.constant 0 : i32
    return %arg0, %c0_i32 : i32, i32
  }
  func.func @transform_13(%arg0: i32) -> (i32, i32) {
    %c0_i32 = arith.constant 0 : i32
    %c0_i32_0 = arith.constant 0 : i32
    return %arg0, %c0_i32 : i32, i32
  }
}

</mosaic_0001>

<sc_bundles>
// kernel: kernel.10.cloned.1.call-start
scs
__scs_entry_jumppad:
0x0: {  	(pc) =	sbr.rel $0x88, $3  }
0x1: {  	(tag) =	ssettag $0x0;
	lr =	simm.s32 $0x1  }
0x2: {  	[smem:$0x3F4F] =	sst lr;
	_ =	strace $0xD0000000  }
0x3: {  	_ = 	snop  }
0x4: {  	_ = 	snop  }
0x5: {  	_ = 	snop  }
0x6: {  	_ = 	snop  }
0x7: {  	_ = 	snop  }
__scs_overlays_trampoline_lowered:
0x8: {  	[smem:$0x3F5E] =	sst s0  }
0x9: {  	[smem:$0x3F5F] =	sst s1  }
0xa: {  	[smem:$0x3F60] =	sst s2  }
0xb: {  	[smem:$0x3F61] =	sst s3  }
0xc: {  	[smem:$0x3F62] =	sst s4  }
0xd: {  	[smem:$0x3F63] =	sst s5  }
0xe: {  	[smem:$0x3F64] =	sst s6  }
0xf: {  	[smem:$0x3F65] =	sst s7  }
0x10: {  	[smem:$0x3F66] =	sst s8  }
0x11: {  	[smem:$0x3F67] =	sst s9;
	s0 =	simm.s32 @!p0 $0x0  }
0x12: {  	s1 =	sld [smem:$0x3F4D];
	s0 =	simm.s32 @p0 $0x1  }
0x13: {  	[smem:$0x3F68] =	sst s0;
	s0 =	simm.s32 @!p1 $0x0  }
0x14: {  	s2 =	sld [smem:$0x3F4C];
	s0 =	simm.s32 @p1 $0x1  }
0x15: {  	[smem:$0x3F69] =	sst s0;
	s0 =	simm.s32 @!p2 $0x0  }
0x16: {  	s3 =	sld [smem:$0x3FDB];
	s0 =	simm.s32 @p2 $0x1  }
0x17: {  	s4 =	simm.s32 $0x1BF5;
	[smem:$0x3F6B] =	sst s0  }
0x18: {  	s0 =	sld [smem:$0x3F4E];
	_ =	swait.ge [sflag:s4], $0x0  }
0x19: {  	s7 =	sld [smem:$0x3F4F]  }
0x1a: {  	s8 =	sadd.s32 $0xFFFFE003, lr  }
0x1b: {  	s9 =	sadd.s32 $0xFFFFFEF7, lr;
	s5 =	simm.s32 $0xFFFFFFFF;
	p2 =	slt.u32 s8, $0xFFFFF086  }
0x1c: {  	p1 =	slt.u32 s9, $0xF7A;
	s5 =	simm.s32 @!p2 $0x0  }
0x1d: {  	s5 =	simm.s32 @p1 $0x1;
	p0 =	seq.s32 s7, s2  }
0x1e: {  	s7 =	smul.u32 @!p0 $0xF7A, s2;
	p2 =	seq.s32 @!p0 s5, $0x0  }
0x1f: {  	s9 =	smul.u32 $0xF7A, s1;
	s8 =	simm.s32 @!p0 $0x1BF5;
	p2 =	por !p2, p0  }
0x20: {  	[sflag:s8] =	ssyncset.s32 @!p0 $0xFFFFF086;
	s6 =	sadd.s32 @!p0 s3, s7;
	s7 =	simm.s32 @!p0 $0x108  }
0x21: {  	s3 =	sadd.s32 s3, s9;
	s6 =	sadd.s32 @!p0 $0x88, s6;
	s7 =	simm.s32 @p2 $0x1082  }
0x22: {  	[simem:s7], [sflag:s8] =	dma.local @!p0 [hbm:s6], $0xF7A  }
0x23: {  	s9 =	sor.u32 $0xD0000000, s2;
	s6 =	simm.s32 $0x108;
	_ =	swait.ge @!p0 [sflag:s8], $0x0  }
0x24: {  	s3 =	sadd.s32 $0x88, s3;
	s6 =	simm.s32 @!p1 $0x1082;
	[sflag:s4] =	ssyncset.s32 $0xFFFFF086  }
0x25: {  	[simem:s6], [sflag:s4] =	dma.local [hbm:s3], $0xF7A  }
0x26: {  	[smem:$0x3F4F] =	sst s1;
	(tag) =	ssettag s2;
	_ =	strace s9  }
0x27: {  	s1 =	sld [smem:$0x3F5F]  }
0x28: {  	s2 =	sld [smem:$0x3F60]  }
0x29: {  	s4 =	sld [smem:$0x3F62]  }
0x2a: {  	p0 =	seq.s32 s5, $0x0;
	s5 =	sld [smem:$0x3F63]  }
0x2b: {  	s6 =	sld [smem:$0x3F64]  }
0x2c: {  	s7 =	sld [smem:$0x3F65]  }
0x2d: {  	s3 =	simm.s32 $0x108;
	s8 =	sld [smem:$0x3F66]  }
0x2e: {  	s3 =	simm.s32 @!p0 $0x1082;
	s9 =	sld [smem:$0x3F67]  }
0x2f: {  	lr =	sadd.s32 s0, s3;
	s0 =	sld [smem:$0x3F5E]  }
0x30: {  	s3 =	sld [smem:$0x3F61]  }
0x31: {  	[smem:$0x3F6A] =	sst s10  }
0x32: {  	s10 =	sld [smem:$0x3F68];
	_ =	sdelay $0x3  }
0x33: {  	p0 =	seq.s32 s10, $0x1;
	s10 =	sld [smem:$0x3F6A];
	_ =	sdelay $0x3  }
0x34: {  	[smem:$0x3F6A] =	sst s10  }
0x35: {  	s10 =	sld [smem:$0x3F69];
	_ =	sdelay $0x3  }
0x36: {  	p1 =	seq.s32 s10, $0x1;
	s10 =	sld [smem:$0x3F6A];
	_ =	sdelay $0x3  }
0x37: {  	[smem:$0x3F6A] =	sst s10  }
0x38: {  	s10 =	sld [smem:$0x3F6B]  }
0x39: {  	_ = 	snop;
	(pc) =	sbr.ind lr, $3  }
0x3a: {  	_ = 	snop  }
0x3b: {  	_ = 	snop  }
0x3c: {  	p2 =	seq.s32 s10, $0x1;
	s10 =	sld [smem:$0x3F6A]  }
0x3d: {  	_ =	shalt  }
0x3e: {  	_ =	shalt  }
0x3f: {  	_ =	shalt  }
0x40: {  	_ =	shalt  }
0x41: {  	_ =	shalt  }
0x42: {  	_ =	shalt  }
0x43: {  	_ =	shalt  }
0x44: {  	_ =	shalt  }
0x45: {  	_ =	shalt  }
0x46: {  	_ =	shalt  }
0x47: {  	_ =	shalt  }
0x48: {  	_ =	shalt  }
0x49: {  	_ =	shalt  }
0x4a: {  	_ =	shalt  }
0x4b: {  	_ =	shalt  }
0x4c: {  	_ =	shalt  }
0x4d: {  	_ =	shalt  }
0x4e: {  	_ =	shalt  }
0x4f: {  	_ =	shalt  }
0x50: {  	_ =	shalt  }
0x51: {  	_ =	shalt  }
0x52: {  	_ =	shalt  }
0x53: {  	_ =	shalt  }
0x54: {  	_ =	shalt  }
0x55: {  	_ =	shalt  }
0x56: {  	_ =	shalt  }
0x57: {  	_ =	shalt  }
0x58: {  	_ =	shalt  }
0x59: {  	_ =	shalt  }
0x5a: {  	_ =	shalt  }
0x5b: {  	_ =	shalt  }
0x5c: {  	_ =	shalt  }
0x5d: {  	_ =	shalt  }
0x5e: {  	_ =	shalt  }
0x5f: {  	_ =	shalt  }
0x60: {  	_ =	shalt  }
0x61: {  	_ =	shalt  }
0x62: {  	_ =	shalt  }
0x63: {  	_ =	shalt  }
0x64: {  	_ =	shalt  }
0x65: {  	_ =	shalt  }
0x66: {  	_ =	shalt  }
0x67: {  	_ =	shalt  }
0x68: {  	_ =	shalt  }
0x69: {  	_ =	shalt  }
0x6a: {  	_ =	shalt  }
0x6b: {  	_ =	shalt  }
0x6c: {  	_ =	shalt  }
0x6d: {  	_ =	shalt  }
0x6e: {  	_ =	shalt  }
0x6f: {  	_ =	shalt  }
0x70: {  	_ =	shalt  }
0x71: {  	_ =	shalt  }
0x72: {  	_ =	shalt  }
0x73: {  	_ =	shalt  }
0x74: {  	_ =	shalt  }
0x75: {  	_ =	shalt  }
0x76: {  	_ =	shalt  }
0x77: {  	_ =	shalt  }
0x78: {  	_ =	shalt  }
0x79: {  	_ =	shalt  }
0x7a: {  	_ =	shalt  }
0x7b: {  	_ =	shalt  }
0x7c: {  	_ =	shalt  }
0x7d: {  	_ =	shalt  }
0x7e: {  	_ =	shalt  }
0x7f: {  	_ =	shalt  }
0x80: {  	_ =	shalt  }
0x81: {  	_ =	shalt  }
0x82: {  	_ =	shalt  }
0x83: {  	_ =	shalt  }
0x84: {  	_ =	shalt  }
0x85: {  	_ =	shalt  }
0x86: {  	_ =	shalt  }
0x87: {  	_ =	shalt  }
.Lfunc_end0:
.L_simem_size_0:
called_computation.1_lowered:
.L_overlay_start_0:
0x88: {  	s2 =	sld [smem:$0x3FD9]  }
0x89: {  	s3 =	sld [smem:$0x3FFE];
	_ =	sdelay $0x1  }
0x8a: {  	s1 =	srdreg.scid  }
0x8b: {  	s0 =	sand.u32 $0x1, s1  }
0x8c: {  	s16 =	sshll.u32 s0, $0xA;
	s2 =	sadd.s32 s3, s2  }
0x8d: {  	s2 =	sadd.s32 s2, s16  }
0x8e: {  	[smem:$0x3F76] =	sst s2  }
0x8f: {  	_ = 	snop  }
0x90: {  	(tm) =	ssettm $0x1  }
0x91: {  	s17 =	sld [smem:$0x3FFB];
	_ =	sdelay $0x3  }
0x92: {  	_ =	strace s17  }
0x93: {  	s2 =	sld [smem:$0x3FFC];
	_ =	sdelay $0x3  }
0x94: {  	_ =	strace s2  }
0x95: {  	s2 =	sld [smem:$0x3FFD];
	_ =	sdelay $0x3  }
0x96: {  	_ =	strace s2  }
0x97: {  	_ =	strace $0x8FFFFFFF  }
0x98: {  	s18 =	sld [smem:$0x3FDB];
	_ =	sdelay $0x1  }
0x99: {  	s19 =	simm.s32 $_scs_section_size  }
0x9a: {  	s4 =	simm.s32 $_size__tile_overlayer_lowered;
	s5 =	simm.s32 $_tile_overlayer_lowered  }
0x9b: {  	s22 =	simm.s32 $0x1BFF;
	s21 =	sshll.u32 s5, $0x1;
	s2 =	sadd.s32 s19, s18  }
0x9c: {  	s6 =	simm.s32 $0x0;
	s20 =	sshll.u32 s4, $0x1;
	s4 =	sadd.s32 s21, s2  }
0x9d: {  	[timem:s6], [sflag:s22] =	dma.local [hbm:s4], s20  }
0x9e: {  	_ =	swait.ge [sflag:s22], s20  }
0x9f: {  	s3 =	ssub.s32 $0x0, s20;
	[sflag:s22] =	ssyncset.done $0x0  }
0xa0: {  	[sflag:s22] =	ssyncadd.s32 s3;
	_ =	sdelay $0x1  }
0xa1: {  	s23 =	simm.s32 $0x1B8B  }
0xa2: {  	_ =	swait.ge [sflag:s23], $0x1  }
0xa3: {  	[sflag:s23] =	ssyncset.done $0x0  }
0xa4: {  	s25 =	simm.s32 $0x1B8E;
	s24 =	sld [smem:$0x3FFE];
	[sflag:s23] =	ssyncadd.s32 $0xFFFFFFFF  }
0xa5: {  	s26 =	simm.s32 $execute0_lowered;
	[smem:$0x3FD2] =	sst s25  }
0xa6: {  	s4 =	sshll.u32 s26, $0x1;
	_ =	strace $0x80000049;
	[dreg:$0x1] =	wrdreg $0xFFFFFFFF  }
0xa7: {  	s28 =	simm.s32 $_size_execute0_lowered;
	s2 =	sadd.s32 s2, s4;
	[dreg:$0x0] =	wrdreg $0x0  }
0xa8: {  	s4 =	sshll.u32 s28, $0x1;
	[dreg:$0x2] =	wrdreg s2  }
0xa9: {  	[dreg:$0x3] =	wrdreg s4  }
0xaa: {  	[dreg:$0x4] =	wrdreg $0xC0  }
0xab: {  	_ =	task [dreg:s6], $0x5FFFF  }
0xac: {  	[dreg:$0x1] =	wrdreg $0xFFFFFFFF  }
0xad: {  	[dreg:$0x0] =	wrdreg $0x60  }
0xae: {  	[dreg:$0x2] =	wrdreg s24  }
0xaf: {  	[dreg:$0x3] =	wrdreg $0x1AA00  }
0xb0: {  	[dreg:$0x4] =	wrdreg $0x9  }
0xb1: {  	_ =	task.clear_ibuf [dreg:s6], $0x5FFFF;
	_ =	strace $0x90000049  }
0xb2: {  	s29 =	simm.s32 $0x9;
	_ =	strace $0x8000004B  }
0xb3: {  	_ =	swait.ge [sflag:s29], $0x1  }
0xb4: {  	[sflag:s29] =	ssyncadd.s32 $0xFFFFFFFF  }
0xb5: {  	_ =	strace $0x9000004B  }
0xb6: {  	_ =	sfence  }
0xb7: {  	s30 =	sld [smem:$0x0];
	_ =	sdelay $0x2  }
0xb8: {  	s31 =	sshll.u32 s1, $0xD;
	s1 =	sshrl.u32 s1, $0x2  }
0xb9: {  	s3 =	sand.u32 $0x4000, s31;
	s1 =	sadd.s32 s1, s30  }
0xba: {  	s0 =	sor.u32 s3, s0;
	s1 =	sshll.u32 s1, $0x11  }
0xbb: {  	s0 =	sor.u32 s1, s0  }
0xbc: {  	s0 =	sadd.s32 $0x8F2B, s0  }
0xbd: {  	[sflag:s0] =	ssyncadd.remote.s32 $0x1  }
0xbe: {  	_ =	sfence.sel $0xFFFF  }
0xbf: {  	[dreg:$0x0] =	wrdreg $0xFFFFFFFF;
	(pc) =	sbr.abs _section_cstart, $3  }
0xc0: {  	[dreg:$0x1] =	wrdreg $0xFFFFFFFF  }
0xc1: {  	_ =	task.clear_ibuf [dreg:s6], $0x2FFFF;
	_ =	strace $0x9FFFFFFF  }
0xc2: {  	(tm) =	ssettm $0x7FFFFFFF  }
0xc3: {  	_ =	shalt  }
tec
execute0_lowered:
.L_overlay_start_1:
0x0: {  	(tag) =	ssettag $0x1  }
0x1: {  	s4 =	rddreg [dreg:$0x0]  }
0x2: {  	s2 =	rddreg [dreg:$0x1]  }
0x3: {  	s0 =	stileid.u32;
	s1 =	rddreg [dreg:$0x2];
	s3 =	simm.s32 $0x0  }
0x4: {  	s8 =	srdreg.scid;
	s14 =	simm.s32 $0x64;
	s15 =	simm.s32 $0x1968  }
0x5: {  	s16 =	simm.s32 $0x640;
	s17 =	simm.s32 $0x19D0;
	s5 =	smul.u32 $0x9C40, s0  }
0x6: {  	s18 =	simm.s32 $0xC80;
	s19 =	simm.s32 $0x1A38;
	s6 =	smul.u32 $0xA28, s0  }
0x7: {  	s20 =	simm.s32 $0x12C0;
	s21 =	simm.s32 $0x42A0;
	s7 =	smul.u32 $0x2800, s0  }
0x8: {  	s22 =	simm.s32 $0x0;
	s8 =	sand.u32 $0x1, s8;
	s9 =	smul.u32 $0x500, s0  }
0x9: {  	[smem:$0x7FF] =	sst s3;
	s30 =	sshll.u32 s0, $0x6;
	s10 =	smul.u32 $0x5000, s8  }
0xa: {  	_ =	strace $0x8000004A;
	s28 =	ssub.s32 $0x2, s8;
	s13 =	smul.u32 $0x514, s8  }
0xb: {  	s8 =	smul.u32 $0x4E20, s8;
	s11 =	sadd.s32 s5, s4;
	s12 =	sadd.s32 s6, s4  }
0xc: {  	s25 =	sshrl.u32 s7, $0x3;
	s29 =	sshrl.u32 s28, $0x1;
	s6 =	sor.u32 $0x1C01, s30  }
0xd: {  	s5 =	sadd.s32 s25, s4;
	s26 =	sadd.s32 s9, s10;
	s9 =	ssub.s32 s28, s29  }
0xe: {  	s31 =	sadd.s32 s13, s12;
	s11 =	sadd.s32 s8, s11;
	s12 =	simm.s32 $0x1  }
0xf: {  	s13 =	simm.s32 $0x1900;
	s10 =	sadd.s32 s26, s4;
	s4 =	sadd.s32 s7, s2  }
0x10: {  	s5 =	sadd.s32 $0xABE00, s5;
	s8 =	smax.u32 s9, $0x1;
	s9 =	sadd.s32 $0x3AC7600, s31  }
0x11: {  	s7 =	sadd.s32 $0xB0E00, s10;
	s10 =	sadd.s32 $0xFA00, s11;
	s11 =	sshrl.u32 s4, $0x3  }
.LBB2_1:
0x12: {  	[spmem:s11], [sflag:s6] =	dma.local [hbm:s5], $0x500  }
0x13: {  	_ =	swait.ge [sflag:s12], $0x500  }
0x14: {  	[sflag:s12] =	ssyncset.done $0x0  }
0x15: {  	[sflag:s12] =	ssyncadd.s32 $0xFFFFFB00  }
0x16: {  	[bflag:$0x0] =	sbarrier.arrive $0xFFFF  }
0x17: {  	[tilespmem:s3], [sflag:$0x1] =	stream.linear.gather [hbm4b:s10+s3], $0x1900, $0x38;
	[tilespmem:$0x6AA0] =	vst v63  }
0x18: {  	_ =	swait.ge [sflag:s12], $0x1900  }
0x19: {  	[sflag:s12] =	ssyncset.done $0x0  }
0x1a: {  	s23 =	sadd.s32 $0x0, s9;
	[sflag:s12] =	ssyncadd.s32 $0xFFFFE700  }
0x1b: {  	[tilespmem:s13], [sflag:$0x1] =	stream.linear.gather [hbm4b:s23+s3], $0x1A0, $0x38;
	[tilespmem:$0x6AA0] =	vst v63  }
0x1c: {  	_ =	swait.ge [sflag:s12], $0x1A0  }
0x1d: {  	[sflag:s12] =	ssyncset.done $0x0  }
0x1e: {  	[sflag:s12] =	ssyncadd.s32 $0xFFFFFE60  }
0x1f: {  	[spmem:s2] =	stream.indirect.scatter.add.f32 [tilespmem:s3], [sflag:$0x1], $0x10, s13, s14, $0xb8;
	[tilespmem:$0x6AA0] =	vst v63  }
0x20: {  	_ =	swait.ge [sflag:s12], $0x640  }
0x21: {  	[sflag:s12] =	ssyncset.done $0x0  }
0x22: {  	[sflag:s12] =	ssyncadd.s32 $0xFFFFF9C0  }
0x23: {  	[spmem:s2] =	stream.indirect.scatter.add.f32 [tilespmem:s16], [sflag:$0x1], $0x10, s15, s14, $0xb8;
	[tilespmem:$0x6AA0] =	vst v63  }
0x24: {  	_ =	swait.ge [sflag:s12], $0x640  }
0x25: {  	[sflag:s12] =	ssyncset.done $0x0  }
0x26: {  	[sflag:s12] =	ssyncadd.s32 $0xFFFFF9C0  }
0x27: {  	[spmem:s2] =	stream.indirect.scatter.add.f32 [tilespmem:s18], [sflag:$0x1], $0x10, s17, s14, $0xb8;
	[tilespmem:$0x6AA0] =	vst v63  }
0x28: {  	_ =	swait.ge [sflag:s12], $0x640  }
0x29: {  	[sflag:s12] =	ssyncset.done $0x0  }
0x2a: {  	[sflag:s12] =	ssyncadd.s32 $0xFFFFF9C0  }
0x2b: {  	[spmem:s2] =	stream.indirect.scatter.add.f32 [tilespmem:s20], [sflag:$0x1], $0x10, s19, s14, $0xb8;
	[tilespmem:$0x6AA0] =	vst v63  }
0x2c: {  	_ =	swait.ge [sflag:s12], $0x640  }
0x2d: {  	s24 =	smov.u32 s10;
	s23 =	simm.s32 $0x34;
	[sflag:s12] =	ssyncset.done $0x0  }
.LBB2_2:
0x2e: {  	p0 =	sne.s32 s23, $0x4E0;
	[sflag:s12] =	ssyncadd.s32 $0xFFFFF9C0;
	s24 =	sadd.s32 $0x320, s24  }
0x2f: {  	[tilespmem:s3], [sflag:$0x1] =	stream.linear.gather [hbm4b:s24+s3], $0x1900, $0x38;
	[tilespmem:$0x6AA0] =	vst v63  }
0x30: {  	s25 =	smov.u32 s23;
	s23 =	sadd.s32 $0x34, s23;
	_ =	swait.ge [sflag:s12], $0x1900  }
0x31: {  	[sflag:s12] =	ssyncset.done $0x0  }
0x32: {  	s25 =	sadd.s32 s25, s9;
	[sflag:s12] =	ssyncadd.s32 $0xFFFFE700  }
0x33: {  	[tilespmem:s13], [sflag:$0x1] =	stream.linear.gather [hbm4b:s25+s3], $0x1A0, $0x38;
	[tilespmem:$0x6AA0] =	vst v63  }
0x34: {  	_ =	swait.ge [sflag:s12], $0x1A0  }
0x35: {  	[sflag:s12] =	ssyncset.done $0x0  }
0x36: {  	[sflag:s12] =	ssyncadd.s32 $0xFFFFFE60  }
0x37: {  	[spmem:s2] =	stream.indirect.scatter.add.f32 [tilespmem:s3], [sflag:$0x1], $0x10, s13, s14, $0xb8;
	[tilespmem:$0x6AA0] =	vst v63  }
0x38: {  	_ =	swait.ge [sflag:s12], $0x640  }
0x39: {  	[sflag:s12] =	ssyncset.done $0x0  }
0x3a: {  	[sflag:s12] =	ssyncadd.s32 $0xFFFFF9C0  }
0x3b: {  	[spmem:s2] =	stream.indirect.scatter.add.f32 [tilespmem:s16], [sflag:$0x1], $0x10, s15, s14, $0xb8;
	[tilespmem:$0x6AA0] =	vst v63  }
0x3c: {  	_ =	swait.ge [sflag:s12], $0x640  }
0x3d: {  	[sflag:s12] =	ssyncset.done $0x0  }
0x3e: {  	[sflag:s12] =	ssyncadd.s32 $0xFFFFF9C0  }
0x3f: {  	[spmem:s2] =	stream.indirect.scatter.add.f32 [tilespmem:s18], [sflag:$0x1], $0x10, s17, s14, $0xb8;
	[tilespmem:$0x6AA0] =	vst v63  }
0x40: {  	_ =	swait.ge [sflag:s12], $0x640  }
.Ltmp0:
0x41: {  	[sflag:s12] =	ssyncset.done $0x0;
	(pc) =	sbr.rel @p0 .LBB2_2-.Ltmp0, $4  }
0x42: {  	[sflag:s12] =	ssyncadd.s32 $0xFFFFF9C0  }
0x43: {  	[spmem:s2] =	stream.indirect.scatter.add.f32 [tilespmem:s20], [sflag:$0x1], $0x10, s19, s14, $0xb8;
	[tilespmem:$0x6AA0] =	vst v63  }
0x44: {  	_ =	swait.ge [sflag:s12], $0x640  }
0x45: {  	[sflag:s12] =	ssyncset.done $0x0  }
0x46: {  	[sflag:s12] =	ssyncadd.s32 $0xFFFFF9C0  }
0x47: {  	[bflag:$0x0] =	sbarrier.arrive $0xFFFF  }
0x48: {  	[tilespmem:s21], [sflag:$0x1] =	stream.linear.gather [spmem:s4], $0x2800, $0x38;
	[tilespmem:$0x6AA0] =	vst v63  }
0x49: {  	s22 =	sadd.s32 $0x1, s22;
	_ =	swait.ge [sflag:s12], $0x2800  }
0x4a: {  	p0 =	sne.s32 s22, s8;
	[sflag:s12] =	ssyncset.done $0x0  }
.Ltmp1:
0x4b: {  	[sflag:s12] =	ssyncadd.s32 $0xFFFFD800;
	(pc) =	sbr.rel @p0 .LBB2_1-.Ltmp1, $4  }
0x4c: {  	[hbm4b:s7+s3] =	stream.linear.scatter [tilespmem:s21], [sflag:$0x1], $0x2800, $0x38;
	[tilespmem:$0x6AA0] =	vst v63  }
0x4d: {  	_ =	swait.ge [sflag:s12], $0x2800  }
0x4e: {  	[sflag:s12] =	ssyncset.done $0x0  }
0x4f: {  	[sflag:s12] =	ssyncadd.s32 $0xFFFFD800  }
0x50: {  	_ =	sfence.sel $0x180000  }
0x51: {  	[bflag:$0x0] =	sbarrier.arrive $0xFFFF  }
0x52: {  	p0 =	sne.s32 s0, $0x0;
	_ =	strace $0x9000004A  }
0x53: {  	s0 =	sadd.s32 @!p0 $0x100000, s1;
	[bflag:$0x2] =	sbarrier.arrive $0xFFFF  }
0x54: {  	[sflag:s0] =	ssyncadd.tile.s32 @!p0 $0x1;
	_ =	shalt  }
.Lfunc_end2:
_tile_overlayer_lowered:
.L_overlay_start_2:
0x55: {  	(tag) =	ssettag $0x2  }
0x56: {  	s0 =	rddreg [dreg:$0x0];
	s2 =	stileid.u32  }
0x57: {  	s1 =	rddreg [dreg:$0x1];
	p0 =	sne.s32 s2, $0x0  }
0x58: {  	s3 =	rddreg [dreg:$0x2];
	[bflag:$0x3] =	sbarrier.arrive $0xFFFF;
	s2 =	simm.s32 @!p0 $0x1C01  }
0x59: {  	[timem:s3], [sflag:s2] =	dma.local @!p0 [hbm:s0], s1  }
0x5a: {  	s0 =	simm.s32 @!p0 $0x1  }
0x5b: {  	_ =	swait.ge @!p0 [sflag:s0], s1  }
0x5c: {  	s1 =	ssub.s32 @!p0 $0x0, s1;
	[sflag:s0] =	ssyncset.done @!p0 $0x0  }
0x5d: {  	[sflag:s0] =	ssyncadd.s32 @!p0 s1  }
0x5e: {  	[bflag:$0x3] =	sbarrier.arrive $0xFFFF  }
0x5f: {  	_ =	shalt  }

// kernel: kernel.7.cloned.1.call-start
scs
__scs_entry_jumppad:
0x0: {  	(pc) =	sbr.rel $0x88, $3  }
0x1: {  	(tag) =	ssettag $0x0;
	lr =	simm.s32 $0x1  }
0x2: {  	[smem:$0x3F4F] =	sst lr;
	_ =	strace $0xD0000000  }
0x3: {  	_ = 	snop  }
0x4: {  	_ = 	snop  }
0x5: {  	_ = 	snop  }
0x6: {  	_ = 	snop  }
0x7: {  	_ = 	snop  }
__scs_overlays_trampoline_lowered:
0x8: {  	[smem:$0x3F5E] =	sst s0  }
0x9: {  	[smem:$0x3F5F] =	sst s1  }
0xa: {  	[smem:$0x3F60] =	sst s2  }
0xb: {  	[smem:$0x3F61] =	sst s3  }
0xc: {  	[smem:$0x3F62] =	sst s4  }
0xd: {  	[smem:$0x3F63] =	sst s5  }
0xe: {  	[smem:$0x3F64] =	sst s6  }
0xf: {  	[smem:$0x3F65] =	sst s7  }
0x10: {  	[smem:$0x3F66] =	sst s8  }
0x11: {  	[smem:$0x3F67] =	sst s9;
	s0 =	simm.s32 @!p0 $0x0  }
0x12: {  	s1 =	sld [smem:$0x3F4D];
	s0 =	simm.s32 @p0 $0x1  }
0x13: {  	[smem:$0x3F68] =	sst s0;
	s0 =	simm.s32 @!p1 $0x0  }
0x14: {  	s2 =	sld [smem:$0x3F4C];
	s0 =	simm.s32 @p1 $0x1  }
0x15: {  	[smem:$0x3F69] =	sst s0;
	s0 =	simm.s32 @!p2 $0x0  }
0x16: {  	s3 =	sld [smem:$0x3FDB];
	s0 =	simm.s32 @p2 $0x1  }
0x17: {  	s4 =	simm.s32 $0x1BF5;
	[smem:$0x3F6B] =	sst s0  }
0x18: {  	s0 =	sld [smem:$0x3F4E];
	_ =	swait.ge [sflag:s4], $0x0  }
0x19: {  	s7 =	sld [smem:$0x3F4F]  }
0x1a: {  	s8 =	sadd.s32 $0xFFFFE003, lr  }
0x1b: {  	s9 =	sadd.s32 $0xFFFFFEF7, lr;
	s5 =	simm.s32 $0xFFFFFFFF;
	p2 =	slt.u32 s8, $0xFFFFF086  }
0x1c: {  	p1 =	slt.u32 s9, $0xF7A;
	s5 =	simm.s32 @!p2 $0x0  }
0x1d: {  	s5 =	simm.s32 @p1 $0x1;
	p0 =	seq.s32 s7, s2  }
0x1e: {  	s7 =	smul.u32 @!p0 $0xF7A, s2;
	p2 =	seq.s32 @!p0 s5, $0x0  }
0x1f: {  	s9 =	smul.u32 $0xF7A, s1;
	s8 =	simm.s32 @!p0 $0x1BF5;
	p2 =	por !p2, p0  }
0x20: {  	[sflag:s8] =	ssyncset.s32 @!p0 $0xFFFFF086;
	s6 =	sadd.s32 @!p0 s3, s7;
	s7 =	simm.s32 @!p0 $0x108  }
0x21: {  	s3 =	sadd.s32 s3, s9;
	s6 =	sadd.s32 @!p0 $0x88, s6;
	s7 =	simm.s32 @p2 $0x1082  }
0x22: {  	[simem:s7], [sflag:s8] =	dma.local @!p0 [hbm:s6], $0xF7A  }
0x23: {  	s9 =	sor.u32 $0xD0000000, s2;
	s6 =	simm.s32 $0x108;
	_ =	swait.ge @!p0 [sflag:s8], $0x0  }
0x24: {  	s3 =	sadd.s32 $0x88, s3;
	s6 =	simm.s32 @!p1 $0x1082;
	[sflag:s4] =	ssyncset.s32 $0xFFFFF086  }
0x25: {  	[simem:s6], [sflag:s4] =	dma.local [hbm:s3], $0xF7A  }
0x26: {  	[smem:$0x3F4F] =	sst s1;
	(tag) =	ssettag s2;
	_ =	strace s9  }
0x27: {  	s1 =	sld [smem:$0x3F5F]  }
0x28: {  	s2 =	sld [smem:$0x3F60]  }
0x29: {  	s4 =	sld [smem:$0x3F62]  }
0x2a: {  	p0 =	seq.s32 s5, $0x0;
	s5 =	sld [smem:$0x3F63]  }
0x2b: {  	s6 =	sld [smem:$0x3F64]  }
0x2c: {  	s7 =	sld [smem:$0x3F65]  }
0x2d: {  	s3 =	simm.s32 $0x108;
	s8 =	sld [smem:$0x3F66]  }
0x2e: {  	s3 =	simm.s32 @!p0 $0x1082;
	s9 =	sld [smem:$0x3F67]  }
0x2f: {  	lr =	sadd.s32 s0, s3;
	s0 =	sld [smem:$0x3F5E]  }
0x30: {  	s3 =	sld [smem:$0x3F61]  }
0x31: {  	[smem:$0x3F6A] =	sst s10  }
0x32: {  	s10 =	sld [smem:$0x3F68];
	_ =	sdelay $0x3  }
0x33: {  	p0 =	seq.s32 s10, $0x1;
	s10 =	sld [smem:$0x3F6A];
	_ =	sdelay $0x3  }
0x34: {  	[smem:$0x3F6A] =	sst s10  }
0x35: {  	s10 =	sld [smem:$0x3F69];
	_ =	sdelay $0x3  }
0x36: {  	p1 =	seq.s32 s10, $0x1;
	s10 =	sld [smem:$0x3F6A];
	_ =	sdelay $0x3  }
0x37: {  	[smem:$0x3F6A] =	sst s10  }
0x38: {  	s10 =	sld [smem:$0x3F6B]  }
0x39: {  	_ = 	snop;
	(pc) =	sbr.ind lr, $3  }
0x3a: {  	_ = 	snop  }
0x3b: {  	_ = 	snop  }
0x3c: {  	p2 =	seq.s32 s10, $0x1;
	s10 =	sld [smem:$0x3F6A]  }
0x3d: {  	_ =	shalt  }
0x3e: {  	_ =	shalt  }
0x3f: {  	_ =	shalt  }
0x40: {  	_ =	shalt  }
0x41: {  	_ =	shalt  }
0x42: {  	_ =	shalt  }
0x43: {  	_ =	shalt  }
0x44: {  	_ =	shalt  }
0x45: {  	_ =	shalt  }
0x46: {  	_ =	shalt  }
0x47: {  	_ =	shalt  }
0x48: {  	_ =	shalt  }
0x49: {  	_ =	shalt  }
0x4a: {  	_ =	shalt  }
0x4b: {  	_ =	shalt  }
0x4c: {  	_ =	shalt  }
0x4d: {  	_ =	shalt  }
0x4e: {  	_ =	shalt  }
0x4f: {  	_ =	shalt  }
0x50: {  	_ =	shalt  }
0x51: {  	_ =	shalt  }
0x52: {  	_ =	shalt  }
0x53: {  	_ =	shalt  }
0x54: {  	_ =	shalt  }
0x55: {  	_ =	shalt  }
0x56: {  	_ =	shalt  }
0x57: {  	_ =	shalt  }
0x58: {  	_ =	shalt  }
0x59: {  	_ =	shalt  }
0x5a: {  	_ =	shalt  }
0x5b: {  	_ =	shalt  }
0x5c: {  	_ =	shalt  }
0x5d: {  	_ =	shalt  }
0x5e: {  	_ =	shalt  }
0x5f: {  	_ =	shalt  }
0x60: {  	_ =	shalt  }
0x61: {  	_ =	shalt  }
0x62: {  	_ =	shalt  }
0x63: {  	_ =	shalt  }
0x64: {  	_ =	shalt  }
0x65: {  	_ =	shalt  }
0x66: {  	_ =	shalt  }
0x67: {  	_ =	shalt  }
0x68: {  	_ =	shalt  }
0x69: {  	_ =	shalt  }
0x6a: {  	_ =	shalt  }
0x6b: {  	_ =	shalt  }
0x6c: {  	_ =	shalt  }
0x6d: {  	_ =	shalt  }
0x6e: {  	_ =	shalt  }
0x6f: {  	_ =	shalt  }
0x70: {  	_ =	shalt  }
0x71: {  	_ =	shalt  }
0x72: {  	_ =	shalt  }
0x73: {  	_ =	shalt  }
0x74: {  	_ =	shalt  }
0x75: {  	_ =	shalt  }
0x76: {  	_ =	shalt  }
0x77: {  	_ =	shalt  }
0x78: {  	_ =	shalt  }
0x79: {  	_ =	shalt  }
0x7a: {  	_ =	shalt  }
0x7b: {  	_ =	shalt  }
0x7c: {  	_ =	shalt  }
0x7d: {  	_ =	shalt  }
0x7e: {  	_ =	shalt  }
0x7f: {  	_ =	shalt  }
0x80: {  	_ =	shalt  }
0x81: {  	_ =	shalt  }
0x82: {  	_ =	shalt  }
0x83: {  	_ =	shalt  }
0x84: {  	_ =	shalt  }
0x85: {  	_ =	shalt  }
0x86: {  	_ =	shalt  }
0x87: {  	_ =	shalt  }
.Lfunc_end0:
.L_simem_size_0:
called_computation_lowered:
.L_overlay_start_0:
0x88: {  	s2 =	sld [smem:$0x3FD9]  }
0x89: {  	s3 =	sld [smem:$0x3FFE];
	_ =	sdelay $0x1  }
0x8a: {  	s1 =	srdreg.scid  }
0x8b: {  	s0 =	sand.u32 $0x1, s1  }
0x8c: {  	s14 =	sshll.u32 s0, $0xA;
	s2 =	sadd.s32 s3, s2  }
0x8d: {  	s2 =	sadd.s32 s2, s14  }
0x8e: {  	[smem:$0x3F76] =	sst s2  }
0x8f: {  	_ = 	snop  }
0x90: {  	s2 =	sld [smem:$0x3FD0];
	_ =	sdelay $0x2  }
0x91: {  	s4 =	simm.s32 $0xA;
	s5 =	simm.s32 $0x10;
	s15 =	sld [smem:$0x3FBD]  }
0x92: {  	[smem:s5], [sflag:s4] =	dma.local [hbm:s2], $0x1  }
0x93: {  	_ =	swait.eq [sflag:s4], $0x1  }
0x94: {  	[sflag:s4] =	ssyncset.done $0x0  }
0x95: {  	[sflag:s4] =	ssyncadd.s32 $0xFFFFFFFF  }
0x96: {  	s16 =	sld [smem:$0x11];
	(tm) =	ssettm $0x1  }
0x97: {  	s17 =	sld [smem:$0x3FFB];
	_ =	sdelay $0x3  }
0x98: {  	_ =	strace s17  }
0x99: {  	s4 =	sld [smem:$0x3FFC];
	_ =	sdelay $0x3  }
0x9a: {  	_ =	strace s4  }
0x9b: {  	s4 =	sld [smem:$0x3FFD];
	_ =	sdelay $0x3  }
0x9c: {  	_ =	strace s4  }
0x9d: {  	_ =	strace $0x8FFFFFFF  }
0x9e: {  	s18 =	sld [smem:$0x3FDB];
	_ =	sdelay $0x1  }
0x9f: {  	s19 =	simm.s32 $_scs_section_size  }
0xa0: {  	s6 =	simm.s32 $_size__tile_overlayer_lowered;
	s7 =	simm.s32 $_tile_overlayer_lowered  }
0xa1: {  	s22 =	simm.s32 $0x1BFF;
	s21 =	sshll.u32 s7, $0x1;
	s4 =	sadd.s32 s19, s18  }
0xa2: {  	s8 =	simm.s32 $0x0;
	s20 =	sshll.u32 s6, $0x1;
	s6 =	sadd.s32 s21, s4  }
0xa3: {  	[timem:s8], [sflag:s22] =	dma.local [hbm:s6], s20  }
0xa4: {  	_ =	swait.ge [sflag:s22], s20  }
0xa5: {  	s5 =	ssub.s32 $0x0, s20;
	[sflag:s22] =	ssyncset.done $0x0  }
0xa6: {  	[sflag:s22] =	ssyncadd.s32 s5;
	_ =	sdelay $0x1  }
0xa7: {  	s23 =	simm.s32 $0x1B8B  }
0xa8: {  	_ =	swait.ge [sflag:s23], $0x1  }
0xa9: {  	[sflag:s23] =	ssyncset.done $0x0  }
0xaa: {  	s25 =	simm.s32 $0x1B8E;
	s24 =	sld [smem:$0x3FFE];
	[sflag:s23] =	ssyncadd.s32 $0xFFFFFFFF  }
0xab: {  	s26 =	simm.s32 $execute0_lowered;
	[smem:$0x3FD2] =	sst s25  }
0xac: {  	s6 =	sshll.u32 s26, $0x1;
	_ =	strace $0x80000046;
	[dreg:$0x1] =	wrdreg $0xFFFFFFFF  }
0xad: {  	s28 =	simm.s32 $_size_execute0_lowered;
	s4 =	sadd.s32 s4, s6;
	[dreg:$0x0] =	wrdreg $0x0  }
0xae: {  	s6 =	sshll.u32 s28, $0x1;
	[dreg:$0x2] =	wrdreg s4  }
0xaf: {  	[dreg:$0x3] =	wrdreg s6  }
0xb0: {  	[dreg:$0x4] =	wrdreg $0xC0  }
0xb1: {  	_ =	task [dreg:s8], $0x5FFFF  }
0xb2: {  	[dreg:$0x1] =	wrdreg $0xFFFFFFFF  }
0xb3: {  	[dreg:$0x0] =	wrdreg $0x60  }
0xb4: {  	[dreg:$0x2] =	wrdreg s15  }
0xb5: {  	[dreg:$0x3] =	wrdreg s24  }
0xb6: {  	[dreg:$0x4] =	wrdreg s16  }
0xb7: {  	[dreg:$0x5] =	wrdreg $0x9  }
0xb8: {  	_ =	task.clear_ibuf [dreg:s8], $0x6FFFF;
	_ =	strace $0x90000046  }
0xb9: {  	s29 =	simm.s32 $0x9;
	_ =	strace $0x80000048  }
0xba: {  	_ =	swait.ge [sflag:s29], $0x1  }
0xbb: {  	[sflag:s29] =	ssyncadd.s32 $0xFFFFFFFF  }
0xbc: {  	_ =	strace $0x90000048  }
0xbd: {  	_ =	sfence  }
0xbe: {  	s30 =	sld [smem:$0x0];
	_ =	sdelay $0x2  }
0xbf: {  	s31 =	sshll.u32 s1, $0xD;
	s1 =	sshrl.u32 s1, $0x2  }
0xc0: {  	s3 =	sand.u32 $0x4000, s31;
	s1 =	sadd.s32 s1, s30  }
0xc1: {  	s0 =	sor.u32 s3, s0;
	s1 =	sshll.u32 s1, $0x11  }
0xc2: {  	s0 =	sor.u32 s1, s0  }
0xc3: {  	s0 =	sadd.s32 $0x8F2B, s0  }
0xc4: {  	[sflag:s0] =	ssyncadd.remote.s32 $0x1  }
0xc5: {  	_ =	sfence.sel $0xFFFF  }
0xc6: {  	[dreg:$0x0] =	wrdreg $0xFFFFFFFF;
	(pc) =	sbr.abs _section_cstart, $3  }
0xc7: {  	[dreg:$0x1] =	wrdreg $0xFFFFFFFF  }
0xc8: {  	_ =	task.clear_ibuf [dreg:s8], $0x2FFFF;
	_ =	strace $0x9FFFFFFF  }
0xc9: {  	(tm) =	ssettm $0x7FFFFFFF  }
tec
execute0_lowered:
.L_overlay_start_1:
0x0: {  	(tag) =	ssettag $0x1  }
0x1: {  	s2 =	rddreg [dreg:$0x0]  }
0x2: {  	s5 =	rddreg [dreg:$0x1]  }
0x3: {  	s3 =	rddreg [dreg:$0x2]  }
0x4: {  	s1 =	stileid.u32;
	s0 =	rddreg [dreg:$0x3]  }
0x5: {  	s4 =	simm.s32 $0x0;
	s8 =	srdreg.scid;
	s13 =	simm.s32 $0x50  }
0x6: {  	s14 =	simm.s32 $0xA0;
	s15 =	simm.s32 $0x28A0;
	s6 =	smul.u32 $0x9C4, s1  }
0x7: {  	s16 =	simm.s32 $0x77B0;
	s17 =	simm.s32 $0x1;
	s7 =	smul.u32 $0x4E200, s1  }
0x8: {  	s18 =	simm.s32 $0x2;
	s8 =	sand.u32 $0x1, s8;
	s9 =	smul.u32 $0x4E20, s1  }
0x9: {  	s19 =	simm.s32 $0x0;
	[smem:$0x7FF] =	sst s4;
	s10 =	smul.u32 $0x2710, s8  }
0xa: {  	_ =	strace $0x80000047;
	s26 =	ssub.s32 $0x2, s8;
	s12 =	smul.u32 $0x4E2, s8  }
0xb: {  	s8 =	smul.u32 $0x27100, s8;
	s6 =	sadd.s32 s6, s5;
	s28 =	sshrl.u32 s26, $0x1  }
0xc: {  	s11 =	sadd.s32 s7, s5;
	s9 =	sadd.s32 s10, s9;
	s7 =	ssub.s32 s26, s28  }
0xd: {  	s30 =	sadd.s32 s12, s6;
	s31 =	sadd.s32 s8, s11;
	s11 =	simm.s32 $0x50A0  }
0xe: {  	s12 =	simm.s32 $0x3;
	s9 =	sshrl.u32 s9, $0x3;
	s6 =	sadd.s32 $0x19800, s30  }
0xf: {  	s8 =	sadd.s32 $0x50F400, s31;
	s29 =	sadd.s32 s9, s5;
	s5 =	smax.u32 s7, $0x1  }
0x10: {  	s7 =	sadd.s32 $0xFA00, s30;
	s9 =	sadd.s32 $0x2D400, s31;
	s10 =	sadd.s32 $0x23600, s29  }
.LBB2_1:
0x11: {  	[tilespmem:s11], [sflag:$0x3] =	stream.linear.gather [hbm4b:s3+s4], $0x2710, $0x38;
	[tilespmem:$0x7800] =	vst v63  }
0x12: {  	_ =	swait.ge [sflag:s12], $0x2710  }
0x13: {  	[sflag:s12] =	ssyncset.done $0x0  }
0x14: {  	s20 =	sadd.s32 $0x0, s6;
	[sflag:s12] =	ssyncadd.s32 $0xFFFFD8F0  }
0x15: {  	[tilespmem:s4], [sflag:$0x3] =	stream.linear.gather [hbm4b:s20+s4], $0x50, $0x38;
	[tilespmem:$0x7800] =	vst v63  }
0x16: {  	_ =	swait.ge [sflag:s12], $0x50  }
0x17: {  	[sflag:s12] =	ssyncset.done $0x0  }
0x18: {  	s30 =	sadd.s32 $0x0, s7;
	[sflag:s12] =	ssyncadd.s32 $0xFFFFFFB0  }
0x19: {  	[tilespmem:s13], [sflag:$0x3] =	stream.linear.gather [hbm4b:s30+s4], $0x50, $0x38;
	[tilespmem:$0x7800] =	vst v63  }
0x1a: {  	_ =	swait.ge [sflag:s12], $0x50  }
0x1b: {  	[sflag:s12] =	ssyncset.done $0x0  }
0x1c: {  	[sflag:s12] =	ssyncadd.s32 $0xFFFFFFB0  }
0x1d: {  	[tilespmem:s14], [sflag:$0x1] =	stream.indirect.gather [hbm4b:s2+s13], $0x80, s4, s13, $0xb8;
	[tilespmem:$0x7800] =	vst v63  }
0x1e: {  	_ = 	snop  }
0x1f: {  	[tilespmem:s15], [sflag:$0x2] =	stream.indirect.gather [hbm4b:s2+s13], $0x80, s13, s13, $0xb8;
	[tilespmem:$0x7800] =	vst v63  }
0x20: {  	v0 =	vld [tilespmem:$0x0]  }
0x21: {  	v1 =	vld [tilespmem:$0x50];
	_ =	sdelay $0x6  }
0x22: {  	v0 =	vld.idx.msk [tilespmem:v0+s11+$0x0], $0xffff  }
0x23: {  	v1 =	vld.idx.msk [tilespmem:v1+s11+$0x0], $0xffff;
	_ =	sdelay $0x4  }
0x24: {  	v1 =	vadd.f32 v1, v0;
	_ =	sdelay $0x1  }
0x25: {  	(erf) = vrcp.f32 v1;
	_ =	sdelay $0x4  }
0x26: {  	v50 =	vld [tilespmem:$0x10]  }
0x27: {  	v2 =	vld [tilespmem:$0x60];
	_ =	sdelay $0x2  }
0x28: {  	v3 =	vpop (erf)  }
0x29: {  	v0 =	vmul.f32 v3, v0;
	_ =	sdelay $0x1  }
0x2a: {  	[tilespmem:$0x77B0] =	vst v0  }
0x2b: {  	v0 =	vld.idx.msk [tilespmem:v50+s11+$0x0], $0xffff  }
0x2c: {  	v51 =	vld.idx.msk [tilespmem:v2+s11+$0x0], $0xffff;
	_ =	sdelay $0x4  }
0x2d: {  	v1 =	vadd.f32 v51, v0;
	_ =	sdelay $0x1  }
0x2e: {  	(erf) = vrcp.f32 v1;
	_ =	sdelay $0x4  }
0x2f: {  	v52 =	vld [tilespmem:$0x20]  }
0x30: {  	v53 =	vld [tilespmem:$0x70];
	_ =	sdelay $0x2  }
0x31: {  	v54 =	vpop (erf)  }
0x32: {  	v0 =	vmul.f32 v54, v0;
	_ =	sdelay $0x1  }
0x33: {  	[tilespmem:$0x77C0] =	vst v0  }
0x34: {  	v0 =	vld.idx.msk [tilespmem:v52+s11+$0x0], $0xffff  }
0x35: {  	v55 =	vld.idx.msk [tilespmem:v53+s11+$0x0], $0xffff;
	_ =	sdelay $0x4  }
0x36: {  	v1 =	vadd.f32 v55, v0;
	_ =	sdelay $0x1  }
0x37: {  	(erf) = vrcp.f32 v1;
	_ =	sdelay $0x4  }
0x38: {  	v56 =	vld [tilespmem:$0x30]  }
0x39: {  	v57 =	vld [tilespmem:$0x80];
	_ =	sdelay $0x2  }
0x3a: {  	v58 =	vpop (erf)  }
0x3b: {  	v0 =	vmul.f32 v58, v0;
	_ =	sdelay $0x1  }
0x3c: {  	[tilespmem:$0x77D0] =	vst v0  }
0x3d: {  	v0 =	vld.idx.msk [tilespmem:v56+s11+$0x0], $0xffff  }
0x3e: {  	v59 =	vld.idx.msk [tilespmem:v57+s11+$0x0], $0xffff;
	_ =	sdelay $0x4  }
0x3f: {  	v1 =	vadd.f32 v59, v0;
	_ =	sdelay $0x1  }
0x40: {  	(erf) = vrcp.f32 v1;
	_ =	sdelay $0x4  }
0x41: {  	v60 =	vld [tilespmem:$0x40]  }
0x42: {  	v61 =	vld [tilespmem:$0x90];
	_ =	sdelay $0x2  }
0x43: {  	v62 =	vpop (erf)  }
0x44: {  	v0 =	vmul.f32 v62, v0;
	_ =	sdelay $0x1  }
0x45: {  	[tilespmem:$0x77E0] =	vst v0  }
0x46: {  	v0 =	vld.idx.msk [tilespmem:v60+s11+$0x0], $0xffff  }
0x47: {  	v63 =	vld.idx.msk [tilespmem:v61+s11+$0x0], $0xffff;
	_ =	sdelay $0x4  }
0x48: {  	v1 =	vadd.f32 v63, v0;
	_ =	sdelay $0x1  }
0x49: {  	(erf) = vrcp.f32 v1;
	_ =	sdelay $0x8  }
0x4a: {  	v1 =	vpop (erf)  }
0x4b: {  	v0 =	vmul.f32 v1, v0;
	_ =	sdelay $0x1  }
0x4c: {  	s31 =	sadd.s32 $0x0, s10;
	[tilespmem:$0x77F0] =	vst v0  }
0x4d: {  	[hbm4b:s31+s4] =	stream.linear.scatter [tilespmem:s16], [sflag:$0x3], $0x50, $0x38;
	[tilespmem:$0x7800] =	vst v63  }
0x4e: {  	_ =	swait.ge [sflag:s12], $0x50  }
0x4f: {  	[sflag:s12] =	ssyncset.done $0x0  }
0x50: {  	[sflag:s12] =	ssyncadd.s32 $0xFFFFFFB0  }
0x51: {  	_ =	swait.ge [sflag:s17], $0x2800  }
0x52: {  	[sflag:s17] =	ssyncset.done $0x0  }
0x53: {  	[sflag:s17] =	ssyncadd.s32 $0xFFFFD800  }
0x54: {  	_ =	swait.ge [sflag:s18], $0x2800  }
0x55: {  	[sflag:s18] =	ssyncset.done $0x0  }
0x56: {  	s21 =	smov.u32 s8;
	s22 =	smov.u32 s9;
	[sflag:s18] =	ssyncadd.s32 $0xFFFFD800  }
0x57: {  	[hbm4b:s9+s4] =	stream.linear.scatter [tilespmem:s14], [sflag:$0x3], $0x2800, $0x38;
	[tilespmem:$0x7800] =	vst v63  }
0x58: {  	s23 =	smov.u32 s8;
	s20 =	simm.s32 $0xA;
	_ =	swait.ge [sflag:s12], $0x2800  }
.LBB2_2:
0x59: {  	[sflag:s12] =	ssyncset.done $0x0  }
0x5a: {  	s21 =	sadd.s32 $0x500, s21;
	s22 =	sadd.s32 $0x500, s22;
	s24 =	smov.u32 s20  }
0x5b: {  	p0 =	sne.s32 s20, $0x4D8;
	s20 =	sadd.s32 $0xA, s20;
	[sflag:s12] =	ssyncadd.s32 $0xFFFFD800  }
0x5c: {  	[hbm4b:s23+s4] =	stream.linear.scatter [tilespmem:s15], [sflag:$0x3], $0x2800, $0x38;
	[tilespmem:$0x7800] =	vst v63  }
0x5d: {  	s23 =	smov.u32 s21;
	_ =	swait.ge [sflag:s12], $0x2800  }
0x5e: {  	[sflag:s12] =	ssyncset.done $0x0  }
0x5f: {  	s25 =	sadd.s32 s24, s6;
	[sflag:s12] =	ssyncadd.s32 $0xFFFFD800  }
0x60: {  	[tilespmem:s4], [sflag:$0x3] =	stream.linear.gather [hbm4b:s25+s4], $0x50, $0x38;
	[tilespmem:$0x7800] =	vst v63  }
0x61: {  	_ =	swait.ge [sflag:s12], $0x50  }
0x62: {  	[sflag:s12] =	ssyncset.done $0x0  }
0x63: {  	s25 =	sadd.s32 s24, s7;
	[sflag:s12] =	ssyncadd.s32 $0xFFFFFFB0  }
0x64: {  	[tilespmem:s13], [sflag:$0x3] =	stream.linear.gather [hbm4b:s25+s4], $0x50, $0x38;
	[tilespmem:$0x7800] =	vst v63  }
0x65: {  	_ =	swait.ge [sflag:s12], $0x50  }
0x66: {  	[sflag:s12] =	ssyncset.done $0x0  }
0x67: {  	[sflag:s12] =	ssyncadd.s32 $0xFFFFFFB0  }
0x68: {  	[tilespmem:s14], [sflag:$0x1] =	stream.indirect.gather [hbm4b:s2+s13], $0x80, s4, s13, $0xb8;
	[tilespmem:$0x7800] =	vst v63  }
0x69: {  	_ = 	snop  }
0x6a: {  	[tilespmem:s15], [sflag:$0x2] =	stream.indirect.gather [hbm4b:s2+s13], $0x80, s13, s13, $0xb8;
	[tilespmem:$0x7800] =	vst v63  }
0x6b: {  	v0 =	vld [tilespmem:$0x0]  }
0x6c: {  	v1 =	vld [tilespmem:$0x50]  }
0x6d: {  	v2 =	vld [tilespmem:$0x10]  }
0x6e: {  	v3 =	vld [tilespmem:$0x60]  }
0x6f: {  	v4 =	vld [tilespmem:$0x20]  }
0x70: {  	v5 =	vld [tilespmem:$0x70]  }
0x71: {  	v6 =	vld [tilespmem:$0x30]  }
0x72: {  	v7 =	vld [tilespmem:$0x80]  }
0x73: {  	v0 =	vld.idx.msk [tilespmem:v0+s11+$0x0], $0xffff  }
0x74: {  	v1 =	vld.idx.msk [tilespmem:v1+s11+$0x0], $0xffff  }
0x75: {  	v8 =	vld [tilespmem:$0x40]  }
0x76: {  	v9 =	vld [tilespmem:$0x90];
	_ =	sdelay $0x3  }
0x77: {  	v1 =	vadd.f32 v1, v0;
	_ =	sdelay $0x1  }
0x78: {  	(erf) = vrcp.f32 v1;
	_ =	sdelay $0x8  }
0x79: {  	v1 =	vpop (erf)  }
0x7a: {  	v0 =	vmul.f32 v1, v0;
	_ =	sdelay $0x1  }
0x7b: {  	[tilespmem:$0x77B0] =	vst v0  }
0x7c: {  	v0 =	vld.idx.msk [tilespmem:v2+s11+$0x0], $0xffff  }
0x7d: {  	v1 =	vld.idx.msk [tilespmem:v3+s11+$0x0], $0xffff;
	_ =	sdelay $0x5  }
0x7e: {  	v1 =	vadd.f32 v1, v0;
	_ =	sdelay $0x1  }
0x7f: {  	(erf) = vrcp.f32 v1;
	_ =	sdelay $0x8  }
0x80: {  	v1 =	vpop (erf)  }
0x81: {  	v0 =	vmul.f32 v1, v0;
	_ =	sdelay $0x1  }
0x82: {  	[tilespmem:$0x77C0] =	vst v0  }
0x83: {  	v0 =	vld.idx.msk [tilespmem:v4+s11+$0x0], $0xffff  }
0x84: {  	v1 =	vld.idx.msk [tilespmem:v5+s11+$0x0], $0xffff;
	_ =	sdelay $0x5  }
0x85: {  	v1 =	vadd.f32 v1, v0;
	_ =	sdelay $0x1  }
0x86: {  	(erf) = vrcp.f32 v1;
	_ =	sdelay $0x8  }
0x87: {  	v1 =	vpop (erf)  }
0x88: {  	v0 =	vmul.f32 v1, v0;
	_ =	sdelay $0x1  }
0x89: {  	[tilespmem:$0x77D0] =	vst v0  }
0x8a: {  	v0 =	vld.idx.msk [tilespmem:v6+s11+$0x0], $0xffff  }
0x8b: {  	v1 =	vld.idx.msk [tilespmem:v7+s11+$0x0], $0xffff;
	_ =	sdelay $0x5  }
0x8c: {  	v1 =	vadd.f32 v1, v0;
	_ =	sdelay $0x1  }
0x8d: {  	(erf) = vrcp.f32 v1;
	_ =	sdelay $0x8  }
0x8e: {  	v1 =	vpop (erf)  }
0x8f: {  	v0 =	vmul.f32 v1, v0;
	_ =	sdelay $0x1  }
0x90: {  	[tilespmem:$0x77E0] =	vst v0  }
0x91: {  	v0 =	vld.idx.msk [tilespmem:v8+s11+$0x0], $0xffff  }
0x92: {  	v1 =	vld.idx.msk [tilespmem:v9+s11+$0x0], $0xffff;
	_ =	sdelay $0x5  }
0x93: {  	v1 =	vadd.f32 v1, v0;
	_ =	sdelay $0x1  }
0x94: {  	(erf) = vrcp.f32 v1;
	_ =	sdelay $0x6  }
0x95: {  	s24 =	sadd.s32 s24, s10;
	_ =	sdelay $0x1  }
0x96: {  	v1 =	vpop (erf)  }
0x97: {  	v0 =	vmul.f32 v1, v0;
	_ =	sdelay $0x1  }
0x98: {  	[tilespmem:$0x77F0] =	vst v0  }
0x99: {  	[hbm4b:s24+s4] =	stream.linear.scatter [tilespmem:s16], [sflag:$0x3], $0x50, $0x38;
	[tilespmem:$0x7800] =	vst v63  }
0x9a: {  	_ =	swait.ge [sflag:s12], $0x50  }
0x9b: {  	[sflag:s12] =	ssyncset.done $0x0  }
0x9c: {  	[sflag:s12] =	ssyncadd.s32 $0xFFFFFFB0  }
0x9d: {  	_ =	swait.ge [sflag:s17], $0x2800  }
0x9e: {  	[sflag:s17] =	ssyncset.done $0x0  }
0x9f: {  	[sflag:s17] =	ssyncadd.s32 $0xFFFFD800  }
.Ltmp0:
0xa0: {  	_ =	swait.ge [sflag:s18], $0x2800;
	(pc) =	sbr.rel @p0 .LBB2_2-.Ltmp0, $4  }
0xa1: {  	[sflag:s18] =	ssyncset.done $0x0  }
0xa2: {  	[sflag:s18] =	ssyncadd.s32 $0xFFFFD800  }
0xa3: {  	[hbm4b:s22+s4] =	stream.linear.scatter [tilespmem:s14], [sflag:$0x3], $0x2800, $0x38;
	[tilespmem:$0x7800] =	vst v63  }
0xa4: {  	_ =	swait.ge [sflag:s12], $0x2800  }
0xa5: {  	s19 =	sadd.s32 $0x1, s19  }
0xa6: {  	[sflag:s12] =	ssyncset.done $0x0;
	p0 =	sne.s32 s19, s5  }
.Ltmp1:
0xa7: {  	[sflag:s12] =	ssyncadd.s32 $0xFFFFD800;
	(pc) =	sbr.rel @p0 .LBB2_1-.Ltmp1, $4  }
0xa8: {  	[hbm4b:s23+s4] =	stream.linear.scatter [tilespmem:s15], [sflag:$0x3], $0x2800, $0x38;
	[tilespmem:$0x7800] =	vst v63  }
0xa9: {  	_ =	swait.ge [sflag:s12], $0x2800  }
0xaa: {  	[sflag:s12] =	ssyncset.done $0x0  }
0xab: {  	[sflag:s12] =	ssyncadd.s32 $0xFFFFD800  }
0xac: {  	_ =	sfence.sel $0x180000  }
0xad: {  	[bflag:$0x0] =	sbarrier.arrive $0xFFFF  }
0xae: {  	p0 =	sne.s32 s1, $0x0;
	_ =	strace $0x90000047  }
0xaf: {  	s0 =	sadd.s32 @!p0 $0x100000, s0;
	[bflag:$0x2] =	sbarrier.arrive $0xFFFF  }
0xb0: {  	[sflag:s0] =	ssyncadd.tile.s32 @!p0 $0x1;
	_ =	shalt  }
.Lfunc_end2:
_tile_overlayer_lowered:
.L_overlay_start_2:
0xb1: {  	(tag) =	ssettag $0x2  }
0xb2: {  	s0 =	rddreg [dreg:$0x0];
	s2 =	stileid.u32  }
0xb3: {  	s1 =	rddreg [dreg:$0x1];
	p0 =	sne.s32 s2, $0x0  }
0xb4: {  	s3 =	rddreg [dreg:$0x2];
	[bflag:$0x3] =	sbarrier.arrive $0xFFFF;
	s2 =	simm.s32 @!p0 $0x1C03  }
0xb5: {  	[timem:s3], [sflag:s2] =	dma.local @!p0 [hbm:s0], s1  }
0xb6: {  	s0 =	simm.s32 @!p0 $0x3  }
0xb7: {  	_ =	swait.ge @!p0 [sflag:s0], s1  }
0xb8: {  	s1 =	ssub.s32 @!p0 $0x0, s1;
	[sflag:s0] =	ssyncset.done @!p0 $0x0  }
0xb9: {  	[sflag:s0] =	ssyncadd.s32 @!p0 s1  }
0xba: {  	[bflag:$0x3] =	sbarrier.arrive $0xFFFF  }
0xbb: {  	_ =	shalt  }

</sc_bundles>
